<compile_context>
chip_gen: v7x
topology: tpu7x:2x2x1
jax: 0.10.2.dev20260603
libtpu: 0.0.44.dev20260713+nightly
codegen_flags: <defaults>
</compile_context>

<pallas_src>
import functools

import jax
import jax.numpy as jnp
from jax import lax
from jax.experimental import pallas as pl
from jax.experimental.pallas import tpu as pltpu
from jax.experimental.pallas import tpu_sc as plsc

BATCH = 16384
LANES = 16


@functools.cache
def _build(num_cores: int, num_subcores: int):
    nw = num_cores * num_subcores
    b_per_w = BATCH // nw
    n_chunks = 4
    chunk = b_per_w // n_chunks
    mesh = plsc.VectorSubcoreMesh(core_axis_name="c", subcore_axis_name="s")

    @functools.partial(
        pl.kernel,
        mesh=mesh,
        out_type=jax.ShapeDtypeStruct((BATCH,), jnp.float32),
        scratch_types=[
            pltpu.VMEM((b_per_w,), jnp.int32),
            pltpu.VMEM((b_per_w,), jnp.float32),
            pltpu.VMEM((LANES,), jnp.float32),
            pltpu.VMEM((LANES,), jnp.float32),
            pltpu.SemaphoreType.DMA,
            pltpu.SemaphoreType.DMA,
        ]
        + [pltpu.SemaphoreType.DMA for _ in range(n_chunks)]
        + [pltpu.SemaphoreType.DMA],
    )
    def gather_kernel(idx_hbm, table_hbm, mean_hbm, norm_hbm, out_hbm,
                      idx_v, vals_v, mean_v, norm_v, sem_i, sem_m,
                      *gather_store_sems):
        g_sems = gather_store_sems[:n_chunks]
        sem_s = gather_store_sems[n_chunks]
        wid = lax.axis_index("s") * num_cores + lax.axis_index("c")
        base = wid * b_per_w
        cp_idx = pltpu.async_copy(idx_hbm.at[pl.ds(base, b_per_w)], idx_v,
                                  sem_i)
        cp_mean = pltpu.async_copy(mean_hbm, mean_v.at[pl.ds(0, 1)], sem_m)
        cp_norm = pltpu.async_copy(norm_hbm, norm_v.at[pl.ds(0, 1)], sem_m)
        cp_idx.wait()
        gathers = []
        for k in range(n_chunks):
            sl = pl.ds(k * chunk, chunk)
            gathers.append(pltpu.async_copy(table_hbm.at[idx_v.at[sl]],
                                            vals_v.at[sl], g_sems[k]))
        cp_mean.wait()
        cp_norm.wait()
        m = mean_v[...][0]
        n = norm_v[...][0]
        neg_mean = jnp.full((LANES,), 0.0, jnp.float32) - m
        inv_norm = 1.0 / (jnp.full((LANES,), 0.0, jnp.float32) + n)
        stores = []
        for k in range(n_chunks):
            gathers[k].wait()
            for i in range(chunk // LANES):
                sl = pl.ds(k * chunk + i * LANES, LANES)
                vals_v[sl] = (vals_v[sl] + neg_mean) * inv_norm
            sl = pl.ds(k * chunk, chunk)
            stores.append(pltpu.async_copy(
                vals_v.at[sl], out_hbm.at[pl.ds(base + k * chunk, chunk)],
                sem_s))
        for st in stores:
            st.wait()

    return gather_kernel


def kernel(inputs, categ_bias, moving_mean, moving_norm):
    idx = inputs.reshape(BATCH).astype(jnp.int32)
    table = categ_bias.reshape(-1).astype(jnp.float32)
    mean = moving_mean.reshape(1).astype(jnp.float32)
    norm = moving_norm.reshape(1).astype(jnp.float32)
    info = plsc.get_sparse_core_info()
    out = _build(info.num_cores, info.num_subcores)(idx, table, mean, norm)
    return out.reshape(BATCH, 1)

# --- scband reference (transcript-rebuilt; emitter-appended) ---
"""Pipeline reference for scband-categ-net-4312147165694 (READ-ONLY COPY).

The authoritative reference and input builder live on the scoring server;
editing this copy changes nothing except your own understanding.
"""

import jax, jax.numpy as jnp
import numpy as np

CATEGORY_NUM = 100000
BATCH = 16384

def setup_inputs(seed: int = 0) -> dict:
    key = jax.random.key(seed)
    k1, k2 = jax.random.split(key)
    inputs = jax.random.randint(k1, (BATCH, 1), 0, CATEGORY_NUM, dtype=jnp.int32)
    # learned params per __init__
    categ_bias = jax.random.normal(k2, (CATEGORY_NUM, 1), dtype=jnp.float32) * 0.05
    moving_mean = jnp.zeros((1,), dtype=jnp.float32)
    moving_norm = jnp.ones((1,), dtype=jnp.float32)
    return {"inputs": inputs, "categ_bias": categ_bias, "moving_mean": moving_mean, "moving_norm": moving_norm}

def reference(inputs, categ_bias, moving_mean, moving_norm):
    # tf.one_hot + matmul against a [category_num, 1] weight == row gather
    idx = inputs[:, 0].astype(jnp.int32)
    output_original = jnp.take(categ_bias, idx, axis=0)  # [B, 1]
    # inference path (training=False): use moving stats; bn_flag=True
    output = (output_original - moving_mean) / moving_norm
    return output

if __name__ == "__main__":
    import jax
    _d = setup_inputs()
    print(jax.jit(kernel)(*tuple(_d.values())))

</pallas_src>

<mosaic_0001>
#map = affine_map<(d0, d1) -> (0)>
module attributes {stable_mosaic.version = 14 : i64} {
  func.func @gather_kernel(%arg0: i32, %arg1: i32, %arg2: memref<16384xi32, #tpu.memory_space<hbm>>, %arg3: memref<100000xf32, #tpu.memory_space<hbm>>, %arg4: memref<1xf32, #tpu.memory_space<hbm>>, %arg5: memref<1xf32, #tpu.memory_space<hbm>>, %arg6: memref<16384xf32, #tpu.memory_space<hbm>>, %arg7: memref<512xi32, #tpu.memory_space<vmem>>, %arg8: memref<512xf32, #tpu.memory_space<vmem>>, %arg9: memref<16xf32, #tpu.memory_space<vmem>>, %arg10: memref<16xf32, #tpu.memory_space<vmem>>, %arg11: memref<!tpu.dma_semaphore, #tpu.memory_space<semaphore_mem>>, %arg12: memref<!tpu.dma_semaphore, #tpu.memory_space<semaphore_mem>>, %arg13: memref<!tpu.dma_semaphore, #tpu.memory_space<semaphore_mem>>, %arg14: memref<!tpu.dma_semaphore, #tpu.memory_space<semaphore_mem>>, %arg15: memref<!tpu.dma_semaphore, #tpu.memory_space<semaphore_mem>>, %arg16: memref<!tpu.dma_semaphore, #tpu.memory_space<semaphore_mem>>, %arg17: memref<!tpu.dma_semaphore, #tpu.memory_space<semaphore_mem>>) attributes {dimension_semantics = [#tpu.dimension_semantics<core_parallel>, #tpu.dimension_semantics<subcore_parallel>], iteration_bounds = array<i64: 2, 16>, scalar_prefetch = 0 : i64, scratch_operands = 11 : i64, tpu.core_type = #tpu.core_type<sc_vector_subcore>, window_params = [{transform_indices = #map}, {transform_indices = #map}, {transform_indices = #map}, {transform_indices = #map}, {transform_indices = #map}]} {
    %mul3A = arith.constant 2 : i32
    %mul3A_0 = arith.muli %arg1, %mul3A : i32
    %add3A = arith.addi %mul3A_0, %arg0 : i32
    %mul3A_1 = arith.constant 512 : i32
    %mul3A_2 = arith.muli %add3A, %mul3A_1 : i32
    %dma_start3A = tpu.memref_slice %arg2[%mul3A_2] : memref<16384xi32, #tpu.memory_space<hbm>> -> memref<512xi32, #tpu.memory_space<hbm>>
    %dma_start3A_3 = tpu.memref_slice %arg2[%mul3A_2] : memref<16384xi32, #tpu.memory_space<hbm>> -> memref<512xi32, #tpu.memory_space<hbm>>
    tpu.enqueue_dma source(%dma_start3A_3 : memref<512xi32, #tpu.memory_space<hbm>>) target(%arg7 : memref<512xi32, #tpu.memory_space<vmem>>) target_semaphore(%arg11 : memref<!tpu.dma_semaphore, #tpu.memory_space<semaphore_mem>>)
    %dma_start3A_4 = arith.constant 0 : i32
    %dma_start3A_5 = tpu.memref_slice %arg9[%dma_start3A_4] : memref<16xf32, #tpu.memory_space<vmem>> -> memref<1xf32, #tpu.memory_space<vmem>>
    %dma_start3A_6 = arith.constant 0 : i32
    %dma_start3A_7 = tpu.memref_slice %arg9[%dma_start3A_6] : memref<16xf32, #tpu.memory_space<vmem>> -> memref<1xf32, #tpu.memory_space<vmem>>
    tpu.enqueue_dma source(%arg4 : memref<1xf32, #tpu.memory_space<hbm>>) target(%dma_start3A_7 : memref<1xf32, #tpu.memory_space<vmem>>) target_semaphore(%arg12 : memref<!tpu.dma_semaphore, #tpu.memory_space<semaphore_mem>>)
    %dma_start3A_8 = arith.constant 0 : i32
    %dma_start3A_9 = tpu.memref_slice %arg10[%dma_start3A_8] : memref<16xf32, #tpu.memory_space<vmem>> -> memref<1xf32, #tpu.memory_space<vmem>>
    %dma_start3A_10 = arith.constant 0 : i32
    %dma_start3A_11 = tpu.memref_slice %arg10[%dma_start3A_10] : memref<16xf32, #tpu.memory_space<vmem>> -> memref<1xf32, #tpu.memory_space<vmem>>
    tpu.enqueue_dma source(%arg5 : memref<1xf32, #tpu.memory_space<hbm>>) target(%dma_start3A_11 : memref<1xf32, #tpu.memory_space<vmem>>) target_semaphore(%arg12 : memref<!tpu.dma_semaphore, #tpu.memory_space<semaphore_mem>>)
    %dma_wait3A = tpu.memref_slice %arg2[%mul3A_2] : memref<16384xi32, #tpu.memory_space<hbm>> -> memref<512xi32, #tpu.memory_space<hbm>>
    %dma_wait3A_12 = tpu.memref_slice %arg2[%mul3A_2] : memref<16384xi32, #tpu.memory_space<hbm>> -> memref<512xi32, #tpu.memory_space<hbm>>
    tpu.wait_dma2 semaphore(%arg11 : memref<!tpu.dma_semaphore, #tpu.memory_space<semaphore_mem>>) src(%dma_wait3A_12 : memref<512xi32, #tpu.memory_space<hbm>>) dst(%arg7 : memref<512xi32, #tpu.memory_space<vmem>>)
    %dma_start3A_13 = arith.constant 0 : i32
    %dma_start3A_14 = tpu.memref_slice %arg8[%dma_start3A_13] : memref<512xf32, #tpu.memory_space<vmem>> -> memref<128xf32, #tpu.memory_space<vmem>>
    %dma_start3A_15 = arith.constant 0 : i32
    %dma_start3A_16 = tpu.memref_slice %arg7[%dma_start3A_15] : memref<512xi32, #tpu.memory_space<vmem>> -> memref<128xi32, #tpu.memory_space<vmem>>
    %dma_start3A_17 = arith.constant 0 : i32
    %dma_start3A_18 = tpu.memref_slice %arg3[%dma_start3A_17] : memref<100000xf32, #tpu.memory_space<hbm>> -> memref<100000xf32, #tpu.memory_space<hbm>>
    tpu.enqueue_indirect_dma source(%dma_start3A_18 : memref<100000xf32, #tpu.memory_space<hbm>>) target(%dma_start3A_14 : memref<128xf32, #tpu.memory_space<vmem>>) offsets(%dma_start3A_16 : memref<128xi32, #tpu.memory_space<vmem>>) semaphore(%arg13 : memref<!tpu.dma_semaphore, #tpu.memory_space<semaphore_mem>>)
    %dma_start3A_19 = arith.constant 128 : i32
    %dma_start3A_20 = tpu.memref_slice %arg8[%dma_start3A_19] : memref<512xf32, #tpu.memory_space<vmem>> -> memref<128xf32, #tpu.memory_space<vmem>>
    %dma_start3A_21 = arith.constant 128 : i32
    %dma_start3A_22 = tpu.memref_slice %arg7[%dma_start3A_21] : memref<512xi32, #tpu.memory_space<vmem>> -> memref<128xi32, #tpu.memory_space<vmem>>
    %dma_start3A_23 = arith.constant 0 : i32
    %dma_start3A_24 = tpu.memref_slice %arg3[%dma_start3A_23] : memref<100000xf32, #tpu.memory_space<hbm>> -> memref<100000xf32, #tpu.memory_space<hbm>>
    tpu.enqueue_indirect_dma source(%dma_start3A_24 : memref<100000xf32, #tpu.memory_space<hbm>>) target(%dma_start3A_20 : memref<128xf32, #tpu.memory_space<vmem>>) offsets(%dma_start3A_22 : memref<128xi32, #tpu.memory_space<vmem>>) semaphore(%arg14 : memref<!tpu.dma_semaphore, #tpu.memory_space<semaphore_mem>>)
    %dma_start3A_25 = arith.constant 256 : i32
    %dma_start3A_26 = tpu.memref_slice %arg8[%dma_start3A_25] : memref<512xf32, #tpu.memory_space<vmem>> -> memref<128xf32, #tpu.memory_space<vmem>>
    %dma_start3A_27 = arith.constant 256 : i32
    %dma_start3A_28 = tpu.memref_slice %arg7[%dma_start3A_27] : memref<512xi32, #tpu.memory_space<vmem>> -> memref<128xi32, #tpu.memory_space<vmem>>
    %dma_start3A_29 = arith.constant 0 : i32
    %dma_start3A_30 = tpu.memref_slice %arg3[%dma_start3A_29] : memref<100000xf32, #tpu.memory_space<hbm>> -> memref<100000xf32, #tpu.memory_space<hbm>>
    tpu.enqueue_indirect_dma source(%dma_start3A_30 : memref<100000xf32, #tpu.memory_space<hbm>>) target(%dma_start3A_26 : memref<128xf32, #tpu.memory_space<vmem>>) offsets(%dma_start3A_28 : memref<128xi32, #tpu.memory_space<vmem>>) semaphore(%arg15 : memref<!tpu.dma_semaphore, #tpu.memory_space<semaphore_mem>>)
    %dma_start3A_31 = arith.constant 384 : i32
    %dma_start3A_32 = tpu.memref_slice %arg8[%dma_start3A_31] : memref<512xf32, #tpu.memory_space<vmem>> -> memref<128xf32, #tpu.memory_space<vmem>>
    %dma_start3A_33 = arith.constant 384 : i32
    %dma_start3A_34 = tpu.memref_slice %arg7[%dma_start3A_33] : memref<512xi32, #tpu.memory_space<vmem>> -> memref<128xi32, #tpu.memory_space<vmem>>
    %dma_start3A_35 = arith.constant 0 : i32
    %dma_start3A_36 = tpu.memref_slice %arg3[%dma_start3A_35] : memref<100000xf32, #tpu.memory_space<hbm>> -> memref<100000xf32, #tpu.memory_space<hbm>>
    tpu.enqueue_indirect_dma source(%dma_start3A_36 : memref<100000xf32, #tpu.memory_space<hbm>>) target(%dma_start3A_32 : memref<128xf32, #tpu.memory_space<vmem>>) offsets(%dma_start3A_34 : memref<128xi32, #tpu.memory_space<vmem>>) semaphore(%arg16 : memref<!tpu.dma_semaphore, #tpu.memory_space<semaphore_mem>>)
    %dma_wait3A_37 = arith.constant 0 : i32
    %dma_wait3A_38 = tpu.memref_slice %arg9[%dma_wait3A_37] : memref<16xf32, #tpu.memory_space<vmem>> -> memref<1xf32, #tpu.memory_space<vmem>>
    %dma_wait3A_39 = arith.constant 0 : i32
    %dma_wait3A_40 = tpu.memref_slice %arg9[%dma_wait3A_39] : memref<16xf32, #tpu.memory_space<vmem>> -> memref<1xf32, #tpu.memory_space<vmem>>
    tpu.wait_dma2 semaphore(%arg12 : memref<!tpu.dma_semaphore, #tpu.memory_space<semaphore_mem>>) src(%arg4 : memref<1xf32, #tpu.memory_space<hbm>>) dst(%dma_wait3A_40 : memref<1xf32, #tpu.memory_space<vmem>>)
    %dma_wait3A_41 = arith.constant 0 : i32
    %dma_wait3A_42 = tpu.memref_slice %arg10[%dma_wait3A_41] : memref<16xf32, #tpu.memory_space<vmem>> -> memref<1xf32, #tpu.memory_space<vmem>>
    %dma_wait3A_43 = arith.constant 0 : i32
    %dma_wait3A_44 = tpu.memref_slice %arg10[%dma_wait3A_43] : memref<16xf32, #tpu.memory_space<vmem>> -> memref<1xf32, #tpu.memory_space<vmem>>
    tpu.wait_dma2 semaphore(%arg12 : memref<!tpu.dma_semaphore, #tpu.memory_space<semaphore_mem>>) src(%arg5 : memref<1xf32, #tpu.memory_space<hbm>>) dst(%dma_wait3A_44 : memref<1xf32, #tpu.memory_space<vmem>>)
    %get3A = arith.constant 0 : index
    %get3A_45 = tpu.vector_load %arg9[%get3A] {strides = array<i32>} : memref<16xf32, #tpu.memory_space<vmem>>, vector<16xf32>,
    %get3A_46 = vector.shape_cast %get3A_45 : vector<16xf32> to vector<16xf32>
    %slice3A = vector.extract_strided_slice %get3A_46 {offsets = [0], sizes = [1], strides = [1]} : vector<16xf32> to vector<1xf32>
    %squeeze3A = vector.extract %slice3A[0] : f32 from vector<1xf32>
    %get3A_47 = arith.constant 0 : index
    %get3A_48 = tpu.vector_load %arg10[%get3A_47] {strides = array<i32>} : memref<16xf32, #tpu.memory_space<vmem>>, vector<16xf32>,
    %get3A_49 = vector.shape_cast %get3A_48 : vector<16xf32> to vector<16xf32>
    %slice3A_50 = vector.extract_strided_slice %get3A_49 {offsets = [0], sizes = [1], strides = [1]} : vector<16xf32> to vector<1xf32>
    %squeeze3A_51 = vector.extract %slice3A_50[0] : f32 from vector<1xf32>
    %broadcast_in_dim3A = arith.constant 0.000000e+00 : f32
    %broadcast_in_dim3A_52 = vector.broadcast %broadcast_in_dim3A : f32 to vector<16xf32>
    %sub3A = vector.broadcast %squeeze3A : f32 to vector<16xf32>
    %sub3A_53 = arith.subf %broadcast_in_dim3A_52, %sub3A : vector<16xf32>
    %broadcast_in_dim3A_54 = arith.constant 0.000000e+00 : f32
    %broadcast_in_dim3A_55 = vector.broadcast %broadcast_in_dim3A_54 : f32 to vector<16xf32>
    %add3A_56 = vector.broadcast %squeeze3A_51 : f32 to vector<16xf32>
    %add3A_57 = arith.addf %broadcast_in_dim3A_55, %add3A_56 : vector<16xf32>
    %div3A = arith.constant 1.000000e+00 : f32
    %div3A_58 = vector.broadcast %div3A : f32 to vector<16xf32>
    %div3A_59 = arith.divf %div3A_58, %add3A_57 : vector<16xf32>
    %dma_wait3A_60 = arith.constant 0 : i32
    %dma_wait3A_61 = tpu.memref_slice %arg8[%dma_wait3A_60] : memref<512xf32, #tpu.memory_space<vmem>> -> memref<128xf32, #tpu.memory_space<vmem>>
    %dma_wait3A_62 = arith.constant 0 : i32
    %dma_wait3A_63 = tpu.memref_slice %arg7[%dma_wait3A_62] : memref<512xi32, #tpu.memory_space<vmem>> -> memref<128xi32, #tpu.memory_space<vmem>>
    %dma_wait3A_64 = arith.constant 0 : i32
    %dma_wait3A_65 = tpu.memref_slice %arg3[%dma_wait3A_64] : memref<100000xf32, #tpu.memory_space<hbm>> -> memref<100000xf32, #tpu.memory_space<hbm>>
    tpu.wait_indirect_dma semaphore(%arg13 : memref<!tpu.dma_semaphore, #tpu.memory_space<semaphore_mem>>) src(%dma_wait3A_65 : memref<100000xf32, #tpu.memory_space<hbm>>) dst(%dma_wait3A_61 : memref<128xf32, #tpu.memory_space<vmem>>)
    %get3A_66 = arith.constant 0 : index
    %get3A_67 = tpu.vector_load %arg8[%get3A_66] {strides = array<i32>} : memref<512xf32, #tpu.memory_space<vmem>>, vector<16xf32>,
    %get3A_68 = vector.shape_cast %get3A_67 : vector<16xf32> to vector<16xf32>
    %add3A_69 = arith.addf %get3A_68, %sub3A_53 : vector<16xf32>
    %mul3A_70 = arith.mulf %add3A_69, %div3A_59 : vector<16xf32>
    %swap3A = arith.constant 0 : index
    %swap3A_71 = tpu.vector_load %arg8[%swap3A] {strides = array<i32>} : memref<512xf32, #tpu.memory_space<vmem>>, vector<16xf32>,
    %swap3A_72 = vector.shape_cast %swap3A_71 : vector<16xf32> to vector<16xf32>
    %swap3A_73 = vector.shape_cast %mul3A_70 : vector<16xf32> to vector<16xf32>
    tpu.vector_store %arg8[%swap3A], %swap3A_73 {strides = array<i32>} : memref<512xf32, #tpu.memory_space<vmem>>, vector<16xf32>,
    %get3A_74 = arith.constant 16 : index
    %get3A_75 = tpu.vector_load %arg8[%get3A_74] {strides = array<i32>} : memref<512xf32, #tpu.memory_space<vmem>>, vector<16xf32>,
    %get3A_76 = vector.shape_cast %get3A_75 : vector<16xf32> to vector<16xf32>
    %add3A_77 = arith.addf %get3A_76, %sub3A_53 : vector<16xf32>
    %mul3A_78 = arith.mulf %add3A_77, %div3A_59 : vector<16xf32>
    %swap3A_79 = arith.constant 16 : index
    %swap3A_80 = tpu.vector_load %arg8[%swap3A_79] {strides = array<i32>} : memref<512xf32, #tpu.memory_space<vmem>>, vector<16xf32>,
    %swap3A_81 = vector.shape_cast %swap3A_80 : vector<16xf32> to vector<16xf32>
    %swap3A_82 = vector.shape_cast %mul3A_78 : vector<16xf32> to vector<16xf32>
    tpu.vector_store %arg8[%swap3A_79], %swap3A_82 {strides = array<i32>} : memref<512xf32, #tpu.memory_space<vmem>>, vector<16xf32>,
    %get3A_83 = arith.constant 32 : index
    %get3A_84 = tpu.vector_load %arg8[%get3A_83] {strides = array<i32>} : memref<512xf32, #tpu.memory_space<vmem>>, vector<16xf32>,
    %get3A_85 = vector.shape_cast %get3A_84 : vector<16xf32> to vector<16xf32>
    %add3A_86 = arith.addf %get3A_85, %sub3A_53 : vector<16xf32>
    %mul3A_87 = arith.mulf %add3A_86, %div3A_59 : vector<16xf32>
    %swap3A_88 = arith.constant 32 : index
    %swap3A_89 = tpu.vector_load %arg8[%swap3A_88] {strides = array<i32>} : memref<512xf32, #tpu.memory_space<vmem>>, vector<16xf32>,
    %swap3A_90 = vector.shape_cast %swap3A_89 : vector<16xf32> to vector<16xf32>
    %swap3A_91 = vector.shape_cast %mul3A_87 : vector<16xf32> to vector<16xf32>
    tpu.vector_store %arg8[%swap3A_88], %swap3A_91 {strides = array<i32>} : memref<512xf32, #tpu.memory_space<vmem>>, vector<16xf32>,
    %get3A_92 = arith.constant 48 : index
    %get3A_93 = tpu.vector_load %arg8[%get3A_92] {strides = array<i32>} : memref<512xf32, #tpu.memory_space<vmem>>, vector<16xf32>,
    %get3A_94 = vector.shape_cast %get3A_93 : vector<16xf32> to vector<16xf32>
    %add3A_95 = arith.addf %get3A_94, %sub3A_53 : vector<16xf32>
    %mul3A_96 = arith.mulf %add3A_95, %div3A_59 : vector<16xf32>
    %swap3A_97 = arith.constant 48 : index
    %swap3A_98 = tpu.vector_load %arg8[%swap3A_97] {strides = array<i32>} : memref<512xf32, #tpu.memory_space<vmem>>, vector<16xf32>,
    %swap3A_99 = vector.shape_cast %swap3A_98 : vector<16xf32> to vector<16xf32>
    %swap3A_100 = vector.shape_cast %mul3A_96 : vector<16xf32> to vector<16xf32>
    tpu.vector_store %arg8[%swap3A_97], %swap3A_100 {strides = array<i32>} : memref<512xf32, #tpu.memory_space<vmem>>, vector<16xf32>,
    %get3A_101 = arith.constant 64 : index
    %get3A_102 = tpu.vector_load %arg8[%get3A_101] {strides = array<i32>} : memref<512xf32, #tpu.memory_space<vmem>>, vector<16xf32>,
    %get3A_103 = vector.shape_cast %get3A_102 : vector<16xf32> to vector<16xf32>
    %add3A_104 = arith.addf %get3A_103, %sub3A_53 : vector<16xf32>
    %mul3A_105 = arith.mulf %add3A_104, %div3A_59 : vector<16xf32>
    %swap3A_106 = arith.constant 64 : index
    %swap3A_107 = tpu.vector_load %arg8[%swap3A_106] {strides = array<i32>} : memref<512xf32, #tpu.memory_space<vmem>>, vector<16xf32>,
    %swap3A_108 = vector.shape_cast %swap3A_107 : vector<16xf32> to vector<16xf32>
    %swap3A_109 = vector.shape_cast %mul3A_105 : vector<16xf32> to vector<16xf32>
    tpu.vector_store %arg8[%swap3A_106], %swap3A_109 {strides = array<i32>} : memref<512xf32, #tpu.memory_space<vmem>>, vector<16xf32>,
    %get3A_110 = arith.constant 80 : index
    %get3A_111 = tpu.vector_load %arg8[%get3A_110] {strides = array<i32>} : memref<512xf32, #tpu.memory_space<vmem>>, vector<16xf32>,
    %get3A_112 = vector.shape_cast %get3A_111 : vector<16xf32> to vector<16xf32>
    %add3A_113 = arith.addf %get3A_112, %sub3A_53 : vector<16xf32>
    %mul3A_114 = arith.mulf %add3A_113, %div3A_59 : vector<16xf32>
    %swap3A_115 = arith.constant 80 : index
    %swap3A_116 = tpu.vector_load %arg8[%swap3A_115] {strides = array<i32>} : memref<512xf32, #tpu.memory_space<vmem>>, vector<16xf32>,
    %swap3A_117 = vector.shape_cast %swap3A_116 : vector<16xf32> to vector<16xf32>
    %swap3A_118 = vector.shape_cast %mul3A_114 : vector<16xf32> to vector<16xf32>
    tpu.vector_store %arg8[%swap3A_115], %swap3A_118 {strides = array<i32>} : memref<512xf32, #tpu.memory_space<vmem>>, vector<16xf32>,
    %get3A_119 = arith.constant 96 : index
    %get3A_120 = tpu.vector_load %arg8[%get3A_119] {strides = array<i32>} : memref<512xf32, #tpu.memory_space<vmem>>, vector<16xf32>,
    %get3A_121 = vector.shape_cast %get3A_120 : vector<16xf32> to vector<16xf32>
    %add3A_122 = arith.addf %get3A_121, %sub3A_53 : vector<16xf32>
    %mul3A_123 = arith.mulf %add3A_122, %div3A_59 : vector<16xf32>
    %swap3A_124 = arith.constant 96 : index
    %swap3A_125 = tpu.vector_load %arg8[%swap3A_124] {strides = array<i32>} : memref<512xf32, #tpu.memory_space<vmem>>, vector<16xf32>,
    %swap3A_126 = vector.shape_cast %swap3A_125 : vector<16xf32> to vector<16xf32>
    %swap3A_127 = vector.shape_cast %mul3A_123 : vector<16xf32> to vector<16xf32>
    tpu.vector_store %arg8[%swap3A_124], %swap3A_127 {strides = array<i32>} : memref<512xf32, #tpu.memory_space<vmem>>, vector<16xf32>,
    %get3A_128 = arith.constant 112 : index
    %get3A_129 = tpu.vector_load %arg8[%get3A_128] {strides = array<i32>} : memref<512xf32, #tpu.memory_space<vmem>>, vector<16xf32>,
    %get3A_130 = vector.shape_cast %get3A_129 : vector<16xf32> to vector<16xf32>
    %add3A_131 = arith.addf %get3A_130, %sub3A_53 : vector<16xf32>
    %mul3A_132 = arith.mulf %add3A_131, %div3A_59 : vector<16xf32>
    %swap3A_133 = arith.constant 112 : index
    %swap3A_134 = tpu.vector_load %arg8[%swap3A_133] {strides = array<i32>} : memref<512xf32, #tpu.memory_space<vmem>>, vector<16xf32>,
    %swap3A_135 = vector.shape_cast %swap3A_134 : vector<16xf32> to vector<16xf32>
    %swap3A_136 = vector.shape_cast %mul3A_132 : vector<16xf32> to vector<16xf32>
    tpu.vector_store %arg8[%swap3A_133], %swap3A_136 {strides = array<i32>} : memref<512xf32, #tpu.memory_space<vmem>>, vector<16xf32>,
    %add3A_137 = arith.constant 0 : i32
    %add3A_138 = arith.addi %mul3A_2, %add3A_137 : i32
    %dma_start3A_139 = arith.constant 0 : i32
    %dma_start3A_140 = tpu.memref_slice %arg8[%dma_start3A_139] : memref<512xf32, #tpu.memory_space<vmem>> -> memref<128xf32, #tpu.memory_space<vmem>>
    %dma_start3A_141 = tpu.memref_slice %arg6[%add3A_138] : memref<16384xf32, #tpu.memory_space<hbm>> -> memref<128xf32, #tpu.memory_space<hbm>>
    %dma_start3A_142 = tpu.memref_slice %arg6[%add3A_138] : memref<16384xf32, #tpu.memory_space<hbm>> -> memref<128xf32, #tpu.memory_space<hbm>>
    %dma_start3A_143 = arith.constant 0 : i32
    %dma_start3A_144 = tpu.memref_slice %arg8[%dma_start3A_143] : memref<512xf32, #tpu.memory_space<vmem>> -> memref<128xf32, #tpu.memory_space<vmem>>
    tpu.enqueue_dma source(%dma_start3A_144 : memref<128xf32, #tpu.memory_space<vmem>>) target(%dma_start3A_142 : memref<128xf32, #tpu.memory_space<hbm>>) target_semaphore(%arg17 : memref<!tpu.dma_semaphore, #tpu.memory_space<semaphore_mem>>)
    %dma_wait3A_145 = arith.constant 128 : i32
    %dma_wait3A_146 = tpu.memref_slice %arg8[%dma_wait3A_145] : memref<512xf32, #tpu.memory_space<vmem>> -> memref<128xf32, #tpu.memory_space<vmem>>
    %dma_wait3A_147 = arith.constant 128 : i32
    %dma_wait3A_148 = tpu.memref_slice %arg7[%dma_wait3A_147] : memref<512xi32, #tpu.memory_space<vmem>> -> memref<128xi32, #tpu.memory_space<vmem>>
    %dma_wait3A_149 = arith.constant 0 : i32
    %dma_wait3A_150 = tpu.memref_slice %arg3[%dma_wait3A_149] : memref<100000xf32, #tpu.memory_space<hbm>> -> memref<100000xf32, #tpu.memory_space<hbm>>
    tpu.wait_indirect_dma semaphore(%arg14 : memref<!tpu.dma_semaphore, #tpu.memory_space<semaphore_mem>>) src(%dma_wait3A_150 : memref<100000xf32, #tpu.memory_space<hbm>>) dst(%dma_wait3A_146 : memref<128xf32, #tpu.memory_space<vmem>>)
    %get3A_151 = arith.constant 128 : index
    %get3A_152 = tpu.vector_load %arg8[%get3A_151] {strides = array<i32>} : memref<512xf32, #tpu.memory_space<vmem>>, vector<16xf32>,
    %get3A_153 = vector.shape_cast %get3A_152 : vector<16xf32> to vector<16xf32>
    %add3A_154 = arith.addf %get3A_153, %sub3A_53 : vector<16xf32>
    %mul3A_155 = arith.mulf %add3A_154, %div3A_59 : vector<16xf32>
    %swap3A_156 = arith.constant 128 : index
    %swap3A_157 = tpu.vector_load %arg8[%swap3A_156] {strides = array<i32>} : memref<512xf32, #tpu.memory_space<vmem>>, vector<16xf32>,
    %swap3A_158 = vector.shape_cast %swap3A_157 : vector<16xf32> to vector<16xf32>
    %swap3A_159 = vector.shape_cast %mul3A_155 : vector<16xf32> to vector<16xf32>
    tpu.vector_store %arg8[%swap3A_156], %swap3A_159 {strides = array<i32>} : memref<512xf32, #tpu.memory_space<vmem>>, vector<16xf32>,
    %get3A_160 = arith.constant 144 : index
    %get3A_161 = tpu.vector_load %arg8[%get3A_160] {strides = array<i32>} : memref<512xf32, #tpu.memory_space<vmem>>, vector<16xf32>,
    %get3A_162 = vector.shape_cast %get3A_161 : vector<16xf32> to vector<16xf32>
    %add3A_163 = arith.addf %get3A_162, %sub3A_53 : vector<16xf32>
    %mul3A_164 = arith.mulf %add3A_163, %div3A_59 : vector<16xf32>
    %swap3A_165 = arith.constant 144 : index
    %swap3A_166 = tpu.vector_load %arg8[%swap3A_165] {strides = array<i32>} : memref<512xf32, #tpu.memory_space<vmem>>, vector<16xf32>,
    %swap3A_167 = vector.shape_cast %swap3A_166 : vector<16xf32> to vector<16xf32>
    %swap3A_168 = vector.shape_cast %mul3A_164 : vector<16xf32> to vector<16xf32>
    tpu.vector_store %arg8[%swap3A_165], %swap3A_168 {strides = array<i32>} : memref<512xf32, #tpu.memory_space<vmem>>, vector<16xf32>,
    %get3A_169 = arith.constant 160 : index
    %get3A_170 = tpu.vector_load %arg8[%get3A_169] {strides = array<i32>} : memref<512xf32, #tpu.memory_space<vmem>>, vector<16xf32>,
    %get3A_171 = vector.shape_cast %get3A_170 : vector<16xf32> to vector<16xf32>
    %add3A_172 = arith.addf %get3A_171, %sub3A_53 : vector<16xf32>
    %mul3A_173 = arith.mulf %add3A_172, %div3A_59 : vector<16xf32>
    %swap3A_174 = arith.constant 160 : index
    %swap3A_175 = tpu.vector_load %arg8[%swap3A_174] {strides = array<i32>} : memref<512xf32, #tpu.memory_space<vmem>>, vector<16xf32>,
    %swap3A_176 = vector.shape_cast %swap3A_175 : vector<16xf32> to vector<16xf32>
    %swap3A_177 = vector.shape_cast %mul3A_173 : vector<16xf32> to vector<16xf32>
    tpu.vector_store %arg8[%swap3A_174], %swap3A_177 {strides = array<i32>} : memref<512xf32, #tpu.memory_space<vmem>>, vector<16xf32>,
    %get3A_178 = arith.constant 176 : index
    %get3A_179 = tpu.vector_load %arg8[%get3A_178] {strides = array<i32>} : memref<512xf32, #tpu.memory_space<vmem>>, vector<16xf32>,
    %get3A_180 = vector.shape_cast %get3A_179 : vector<16xf32> to vector<16xf32>
    %add3A_181 = arith.addf %get3A_180, %sub3A_53 : vector<16xf32>
    %mul3A_182 = arith.mulf %add3A_181, %div3A_59 : vector<16xf32>
    %swap3A_183 = arith.constant 176 : index
    %swap3A_184 = tpu.vector_load %arg8[%swap3A_183] {strides = array<i32>} : memref<512xf32, #tpu.memory_space<vmem>>, vector<16xf32>,
    %swap3A_185 = vector.shape_cast %swap3A_184 : vector<16xf32> to vector<16xf32>
    %swap3A_186 = vector.shape_cast %mul3A_182 : vector<16xf32> to vector<16xf32>
    tpu.vector_store %arg8[%swap3A_183], %swap3A_186 {strides = array<i32>} : memref<512xf32, #tpu.memory_space<vmem>>, vector<16xf32>,
    %get3A_187 = arith.constant 192 : index
    %get3A_188 = tpu.vector_load %arg8[%get3A_187] {strides = array<i32>} : memref<512xf32, #tpu.memory_space<vmem>>, vector<16xf32>,
    %get3A_189 = vector.shape_cast %get3A_188 : vector<16xf32> to vector<16xf32>
    %add3A_190 = arith.addf %get3A_189, %sub3A_53 : vector<16xf32>
    %mul3A_191 = arith.mulf %add3A_190, %div3A_59 : vector<16xf32>
    %swap3A_192 = arith.constant 192 : index
    %swap3A_193 = tpu.vector_load %arg8[%swap3A_192] {strides = array<i32>} : memref<512xf32, #tpu.memory_space<vmem>>, vector<16xf32>,
    %swap3A_194 = vector.shape_cast %swap3A_193 : vector<16xf32> to vector<16xf32>
    %swap3A_195 = vector.shape_cast %mul3A_191 : vector<16xf32> to vector<16xf32>
    tpu.vector_store %arg8[%swap3A_192], %swap3A_195 {strides = array<i32>} : memref<512xf32, #tpu.memory_space<vmem>>, vector<16xf32>,
    %get3A_196 = arith.constant 208 : index
    %get3A_197 = tpu.vector_load %arg8[%get3A_196] {strides = array<i32>} : memref<512xf32, #tpu.memory_space<vmem>>, vector<16xf32>,
    %get3A_198 = vector.shape_cast %get3A_197 : vector<16xf32> to vector<16xf32>
    %add3A_199 = arith.addf %get3A_198, %sub3A_53 : vector<16xf32>
    %mul3A_200 = arith.mulf %add3A_199, %div3A_59 : vector<16xf32>
    %swap3A_201 = arith.constant 208 : index
    %swap3A_202 = tpu.vector_load %arg8[%swap3A_201] {strides = array<i32>} : memref<512xf32, #tpu.memory_space<vmem>>, vector<16xf32>,
    %swap3A_203 = vector.shape_cast %swap3A_202 : vector<16xf32> to vector<16xf32>
    %swap3A_204 = vector.shape_cast %mul3A_200 : vector<16xf32> to vector<16xf32>
    tpu.vector_store %arg8[%swap3A_201], %swap3A_204 {strides = array<i32>} : memref<512xf32, #tpu.memory_space<vmem>>, vector<16xf32>,
    %get3A_205 = arith.constant 224 : index
    %get3A_206 = tpu.vector_load %arg8[%get3A_205] {strides = array<i32>} : memref<512xf32, #tpu.memory_space<vmem>>, vector<16xf32>,
    %get3A_207 = vector.shape_cast %get3A_206 : vector<16xf32> to vector<16xf32>
    %add3A_208 = arith.addf %get3A_207, %sub3A_53 : vector<16xf32>
    %mul3A_209 = arith.mulf %add3A_208, %div3A_59 : vector<16xf32>
    %swap3A_210 = arith.constant 224 : index
    %swap3A_211 = tpu.vector_load %arg8[%swap3A_210] {strides = array<i32>} : memref<512xf32, #tpu.memory_space<vmem>>, vector<16xf32>,
    %swap3A_212 = vector.shape_cast %swap3A_211 : vector<16xf32> to vector<16xf32>
    %swap3A_213 = vector.shape_cast %mul3A_209 : vector<16xf32> to vector<16xf32>
    tpu.vector_store %arg8[%swap3A_210], %swap3A_213 {strides = array<i32>} : memref<512xf32, #tpu.memory_space<vmem>>, vector<16xf32>,
    %get3A_214 = arith.constant 240 : index
    %get3A_215 = tpu.vector_load %arg8[%get3A_214] {strides = array<i32>} : memref<512xf32, #tpu.memory_space<vmem>>, vector<16xf32>,
    %get3A_216 = vector.shape_cast %get3A_215 : vector<16xf32> to vector<16xf32>
    %add3A_217 = arith.addf %get3A_216, %sub3A_53 : vector<16xf32>
    %mul3A_218 = arith.mulf %add3A_217, %div3A_59 : vector<16xf32>
    %swap3A_219 = arith.constant 240 : index
    %swap3A_220 = tpu.vector_load %arg8[%swap3A_219] {strides = array<i32>} : memref<512xf32, #tpu.memory_space<vmem>>, vector<16xf32>,
    %swap3A_221 = vector.shape_cast %swap3A_220 : vector<16xf32> to vector<16xf32>
    %swap3A_222 = vector.shape_cast %mul3A_218 : vector<16xf32> to vector<16xf32>
    tpu.vector_store %arg8[%swap3A_219], %swap3A_222 {strides = array<i32>} : memref<512xf32, #tpu.memory_space<vmem>>, vector<16xf32>,
    %add3A_223 = arith.constant 128 : i32
    %add3A_224 = arith.addi %mul3A_2, %add3A_223 : i32
    %dma_start3A_225 = arith.constant 128 : i32
    %dma_start3A_226 = tpu.memref_slice %arg8[%dma_start3A_225] : memref<512xf32, #tpu.memory_space<vmem>> -> memref<128xf32, #tpu.memory_space<vmem>>
    %dma_start3A_227 = tpu.memref_slice %arg6[%add3A_224] : memref<16384xf32, #tpu.memory_space<hbm>> -> memref<128xf32, #tpu.memory_space<hbm>>
    %dma_start3A_228 = tpu.memref_slice %arg6[%add3A_224] : memref<16384xf32, #tpu.memory_space<hbm>> -> memref<128xf32, #tpu.memory_space<hbm>>
    %dma_start3A_229 = arith.constant 128 : i32
    %dma_start3A_230 = tpu.memref_slice %arg8[%dma_start3A_229] : memref<512xf32, #tpu.memory_space<vmem>> -> memref<128xf32, #tpu.memory_space<vmem>>
    tpu.enqueue_dma source(%dma_start3A_230 : memref<128xf32, #tpu.memory_space<vmem>>) target(%dma_start3A_228 : memref<128xf32, #tpu.memory_space<hbm>>) target_semaphore(%arg17 : memref<!tpu.dma_semaphore, #tpu.memory_space<semaphore_mem>>)
    %dma_wait3A_231 = arith.constant 256 : i32
    %dma_wait3A_232 = tpu.memref_slice %arg8[%dma_wait3A_231] : memref<512xf32, #tpu.memory_space<vmem>> -> memref<128xf32, #tpu.memory_space<vmem>>
    %dma_wait3A_233 = arith.constant 256 : i32
    %dma_wait3A_234 = tpu.memref_slice %arg7[%dma_wait3A_233] : memref<512xi32, #tpu.memory_space<vmem>> -> memref<128xi32, #tpu.memory_space<vmem>>
    %dma_wait3A_235 = arith.constant 0 : i32
    %dma_wait3A_236 = tpu.memref_slice %arg3[%dma_wait3A_235] : memref<100000xf32, #tpu.memory_space<hbm>> -> memref<100000xf32, #tpu.memory_space<hbm>>
    tpu.wait_indirect_dma semaphore(%arg15 : memref<!tpu.dma_semaphore, #tpu.memory_space<semaphore_mem>>) src(%dma_wait3A_236 : memref<100000xf32, #tpu.memory_space<hbm>>) dst(%dma_wait3A_232 : memref<128xf32, #tpu.memory_space<vmem>>)
    %get3A_237 = arith.constant 256 : index
    %get3A_238 = tpu.vector_load %arg8[%get3A_237] {strides = array<i32>} : memref<512xf32, #tpu.memory_space<vmem>>, vector<16xf32>,
    %get3A_239 = vector.shape_cast %get3A_238 : vector<16xf32> to vector<16xf32>
    %add3A_240 = arith.addf %get3A_239, %sub3A_53 : vector<16xf32>
    %mul3A_241 = arith.mulf %add3A_240, %div3A_59 : vector<16xf32>
    %swap3A_242 = arith.constant 256 : index
    %swap3A_243 = tpu.vector_load %arg8[%swap3A_242] {strides = array<i32>} : memref<512xf32, #tpu.memory_space<vmem>>, vector<16xf32>,
    %swap3A_244 = vector.shape_cast %swap3A_243 : vector<16xf32> to vector<16xf32>
    %swap3A_245 = vector.shape_cast %mul3A_241 : vector<16xf32> to vector<16xf32>
    tpu.vector_store %arg8[%swap3A_242], %swap3A_245 {strides = array<i32>} : memref<512xf32, #tpu.memory_space<vmem>>, vector<16xf32>,
    %get3A_246 = arith.constant 272 : index
    %get3A_247 = tpu.vector_load %arg8[%get3A_246] {strides = array<i32>} : memref<512xf32, #tpu.memory_space<vmem>>, vector<16xf32>,
    %get3A_248 = vector.shape_cast %get3A_247 : vector<16xf32> to vector<16xf32>
    %add3A_249 = arith.addf %get3A_248, %sub3A_53 : vector<16xf32>
    %mul3A_250 = arith.mulf %add3A_249, %div3A_59 : vector<16xf32>
    %swap3A_251 = arith.constant 272 : index
    %swap3A_252 = tpu.vector_load %arg8[%swap3A_251] {strides = array<i32>} : memref<512xf32, #tpu.memory_space<vmem>>, vector<16xf32>,
    %swap3A_253 = vector.shape_cast %swap3A_252 : vector<16xf32> to vector<16xf32>
    %swap3A_254 = vector.shape_cast %mul3A_250 : vector<16xf32> to vector<16xf32>
    tpu.vector_store %arg8[%swap3A_251], %swap3A_254 {strides = array<i32>} : memref<512xf32, #tpu.memory_space<vmem>>, vector<16xf32>,
    %get3A_255 = arith.constant 288 : index
    %get3A_256 = tpu.vector_load %arg8[%get3A_255] {strides = array<i32>} : memref<512xf32, #tpu.memory_space<vmem>>, vector<16xf32>,
    %get3A_257 = vector.shape_cast %get3A_256 : vector<16xf32> to vector<16xf32>
    %add3A_258 = arith.addf %get3A_257, %sub3A_53 : vector<16xf32>
    %mul3A_259 = arith.mulf %add3A_258, %div3A_59 : vector<16xf32>
    %swap3A_260 = arith.constant 288 : index
    %swap3A_261 = tpu.vector_load %arg8[%swap3A_260] {strides = array<i32>} : memref<512xf32, #tpu.memory_space<vmem>>, vector<16xf32>,
    %swap3A_262 = vector.shape_cast %swap3A_261 : vector<16xf32> to vector<16xf32>
    %swap3A_263 = vector.shape_cast %mul3A_259 : vector<16xf32> to vector<16xf32>
    tpu.vector_store %arg8[%swap3A_260], %swap3A_263 {strides = array<i32>} : memref<512xf32, #tpu.memory_space<vmem>>, vector<16xf32>,
    %get3A_264 = arith.constant 304 : index
    %get3A_265 = tpu.vector_load %arg8[%get3A_264] {strides = array<i32>} : memref<512xf32, #tpu.memory_space<vmem>>, vector<16xf32>,
    %get3A_266 = vector.shape_cast %get3A_265 : vector<16xf32> to vector<16xf32>
    %add3A_267 = arith.addf %get3A_266, %sub3A_53 : vector<16xf32>
    %mul3A_268 = arith.mulf %add3A_267, %div3A_59 : vector<16xf32>
    %swap3A_269 = arith.constant 304 : index
    %swap3A_270 = tpu.vector_load %arg8[%swap3A_269] {strides = array<i32>} : memref<512xf32, #tpu.memory_space<vmem>>, vector<16xf32>,
    %swap3A_271 = vector.shape_cast %swap3A_270 : vector<16xf32> to vector<16xf32>
    %swap3A_272 = vector.shape_cast %mul3A_268 : vector<16xf32> to vector<16xf32>
    tpu.vector_store %arg8[%swap3A_269], %swap3A_272 {strides = array<i32>} : memref<512xf32, #tpu.memory_space<vmem>>, vector<16xf32>,
    %get3A_273 = arith.constant 320 : index
    %get3A_274 = tpu.vector_load %arg8[%get3A_273] {strides = array<i32>} : memref<512xf32, #tpu.memory_space<vmem>>, vector<16xf32>,
    %get3A_275 = vector.shape_cast %get3A_274 : vector<16xf32> to vector<16xf32>
    %add3A_276 = arith.addf %get3A_275, %sub3A_53 : vector<16xf32>
    %mul3A_277 = arith.mulf %add3A_276, %div3A_59 : vector<16xf32>
    %swap3A_278 = arith.constant 320 : index
    %swap3A_279 = tpu.vector_load %arg8[%swap3A_278] {strides = array<i32>} : memref<512xf32, #tpu.memory_space<vmem>>, vector<16xf32>,
    %swap3A_280 = vector.shape_cast %swap3A_279 : vector<16xf32> to vector<16xf32>
    %swap3A_281 = vector.shape_cast %mul3A_277 : vector<16xf32> to vector<16xf32>
    tpu.vector_store %arg8[%swap3A_278], %swap3A_281 {strides = array<i32>} : memref<512xf32, #tpu.memory_space<vmem>>, vector<16xf32>,
    %get3A_282 = arith.constant 336 : index
    %get3A_283 = tpu.vector_load %arg8[%get3A_282] {strides = array<i32>} : memref<512xf32, #tpu.memory_space<vmem>>, vector<16xf32>,
    %get3A_284 = vector.shape_cast %get3A_283 : vector<16xf32> to vector<16xf32>
    %add3A_285 = arith.addf %get3A_284, %sub3A_53 : vector<16xf32>
    %mul3A_286 = arith.mulf %add3A_285, %div3A_59 : vector<16xf32>
    %swap3A_287 = arith.constant 336 : index
    %swap3A_288 = tpu.vector_load %arg8[%swap3A_287] {strides = array<i32>} : memref<512xf32, #tpu.memory_space<vmem>>, vector<16xf32>,
    %swap3A_289 = vector.shape_cast %swap3A_288 : vector<16xf32> to vector<16xf32>
    %swap3A_290 = vector.shape_cast %mul3A_286 : vector<16xf32> to vector<16xf32>
    tpu.vector_store %arg8[%swap3A_287], %swap3A_290 {strides = array<i32>} : memref<512xf32, #tpu.memory_space<vmem>>, vector<16xf32>,
    %get3A_291 = arith.constant 352 : index
    %get3A_292 = tpu.vector_load %arg8[%get3A_291] {strides = array<i32>} : memref<512xf32, #tpu.memory_space<vmem>>, vector<16xf32>,
    %get3A_293 = vector.shape_cast %get3A_292 : vector<16xf32> to vector<16xf32>
    %add3A_294 = arith.addf %get3A_293, %sub3A_53 : vector<16xf32>
    %mul3A_295 = arith.mulf %add3A_294, %div3A_59 : vector<16xf32>
    %swap3A_296 = arith.constant 352 : index
    %swap3A_297 = tpu.vector_load %arg8[%swap3A_296] {strides = array<i32>} : memref<512xf32, #tpu.memory_space<vmem>>, vector<16xf32>,
    %swap3A_298 = vector.shape_cast %swap3A_297 : vector<16xf32> to vector<16xf32>
    %swap3A_299 = vector.shape_cast %mul3A_295 : vector<16xf32> to vector<16xf32>
    tpu.vector_store %arg8[%swap3A_296], %swap3A_299 {strides = array<i32>} : memref<512xf32, #tpu.memory_space<vmem>>, vector<16xf32>,
    %get3A_300 = arith.constant 368 : index
    %get3A_301 = tpu.vector_load %arg8[%get3A_300] {strides = array<i32>} : memref<512xf32, #tpu.memory_space<vmem>>, vector<16xf32>,
    %get3A_302 = vector.shape_cast %get3A_301 : vector<16xf32> to vector<16xf32>
    %add3A_303 = arith.addf %get3A_302, %sub3A_53 : vector<16xf32>
    %mul3A_304 = arith.mulf %add3A_303, %div3A_59 : vector<16xf32>
    %swap3A_305 = arith.constant 368 : index
    %swap3A_306 = tpu.vector_load %arg8[%swap3A_305] {strides = array<i32>} : memref<512xf32, #tpu.memory_space<vmem>>, vector<16xf32>,
    %swap3A_307 = vector.shape_cast %swap3A_306 : vector<16xf32> to vector<16xf32>
    %swap3A_308 = vector.shape_cast %mul3A_304 : vector<16xf32> to vector<16xf32>
    tpu.vector_store %arg8[%swap3A_305], %swap3A_308 {strides = array<i32>} : memref<512xf32, #tpu.memory_space<vmem>>, vector<16xf32>,
    %add3A_309 = arith.constant 256 : i32
    %add3A_310 = arith.addi %mul3A_2, %add3A_309 : i32
    %dma_start3A_311 = arith.constant 256 : i32
    %dma_start3A_312 = tpu.memref_slice %arg8[%dma_start3A_311] : memref<512xf32, #tpu.memory_space<vmem>> -> memref<128xf32, #tpu.memory_space<vmem>>
    %dma_start3A_313 = tpu.memref_slice %arg6[%add3A_310] : memref<16384xf32, #tpu.memory_space<hbm>> -> memref<128xf32, #tpu.memory_space<hbm>>
    %dma_start3A_314 = tpu.memref_slice %arg6[%add3A_310] : memref<16384xf32, #tpu.memory_space<hbm>> -> memref<128xf32, #tpu.memory_space<hbm>>
    %dma_start3A_315 = arith.constant 256 : i32
    %dma_start3A_316 = tpu.memref_slice %arg8[%dma_start3A_315] : memref<512xf32, #tpu.memory_space<vmem>> -> memref<128xf32, #tpu.memory_space<vmem>>
    tpu.enqueue_dma source(%dma_start3A_316 : memref<128xf32, #tpu.memory_space<vmem>>) target(%dma_start3A_314 : memref<128xf32, #tpu.memory_space<hbm>>) target_semaphore(%arg17 : memref<!tpu.dma_semaphore, #tpu.memory_space<semaphore_mem>>)
    %dma_wait3A_317 = arith.constant 384 : i32
    %dma_wait3A_318 = tpu.memref_slice %arg8[%dma_wait3A_317] : memref<512xf32, #tpu.memory_space<vmem>> -> memref<128xf32, #tpu.memory_space<vmem>>
    %dma_wait3A_319 = arith.constant 384 : i32
    %dma_wait3A_320 = tpu.memref_slice %arg7[%dma_wait3A_319] : memref<512xi32, #tpu.memory_space<vmem>> -> memref<128xi32, #tpu.memory_space<vmem>>
    %dma_wait3A_321 = arith.constant 0 : i32
    %dma_wait3A_322 = tpu.memref_slice %arg3[%dma_wait3A_321] : memref<100000xf32, #tpu.memory_space<hbm>> -> memref<100000xf32, #tpu.memory_space<hbm>>
    tpu.wait_indirect_dma semaphore(%arg16 : memref<!tpu.dma_semaphore, #tpu.memory_space<semaphore_mem>>) src(%dma_wait3A_322 : memref<100000xf32, #tpu.memory_space<hbm>>) dst(%dma_wait3A_318 : memref<128xf32, #tpu.memory_space<vmem>>)
    %get3A_323 = arith.constant 384 : index
    %get3A_324 = tpu.vector_load %arg8[%get3A_323] {strides = array<i32>} : memref<512xf32, #tpu.memory_space<vmem>>, vector<16xf32>,
    %get3A_325 = vector.shape_cast %get3A_324 : vector<16xf32> to vector<16xf32>
    %add3A_326 = arith.addf %get3A_325, %sub3A_53 : vector<16xf32>
    %mul3A_327 = arith.mulf %add3A_326, %div3A_59 : vector<16xf32>
    %swap3A_328 = arith.constant 384 : index
    %swap3A_329 = tpu.vector_load %arg8[%swap3A_328] {strides = array<i32>} : memref<512xf32, #tpu.memory_space<vmem>>, vector<16xf32>,
    %swap3A_330 = vector.shape_cast %swap3A_329 : vector<16xf32> to vector<16xf32>
    %swap3A_331 = vector.shape_cast %mul3A_327 : vector<16xf32> to vector<16xf32>
    tpu.vector_store %arg8[%swap3A_328], %swap3A_331 {strides = array<i32>} : memref<512xf32, #tpu.memory_space<vmem>>, vector<16xf32>,
    %get3A_332 = arith.constant 400 : index
    %get3A_333 = tpu.vector_load %arg8[%get3A_332] {strides = array<i32>} : memref<512xf32, #tpu.memory_space<vmem>>, vector<16xf32>,
    %get3A_334 = vector.shape_cast %get3A_333 : vector<16xf32> to vector<16xf32>
    %add3A_335 = arith.addf %get3A_334, %sub3A_53 : vector<16xf32>
    %mul3A_336 = arith.mulf %add3A_335, %div3A_59 : vector<16xf32>
    %swap3A_337 = arith.constant 400 : index
    %swap3A_338 = tpu.vector_load %arg8[%swap3A_337] {strides = array<i32>} : memref<512xf32, #tpu.memory_space<vmem>>, vector<16xf32>,
    %swap3A_339 = vector.shape_cast %swap3A_338 : vector<16xf32> to vector<16xf32>
    %swap3A_340 = vector.shape_cast %mul3A_336 : vector<16xf32> to vector<16xf32>
    tpu.vector_store %arg8[%swap3A_337], %swap3A_340 {strides = array<i32>} : memref<512xf32, #tpu.memory_space<vmem>>, vector<16xf32>,
    %get3A_341 = arith.constant 416 : index
    %get3A_342 = tpu.vector_load %arg8[%get3A_341] {strides = array<i32>} : memref<512xf32, #tpu.memory_space<vmem>>, vector<16xf32>,
    %get3A_343 = vector.shape_cast %get3A_342 : vector<16xf32> to vector<16xf32>
    %add3A_344 = arith.addf %get3A_343, %sub3A_53 : vector<16xf32>
    %mul3A_345 = arith.mulf %add3A_344, %div3A_59 : vector<16xf32>
    %swap3A_346 = arith.constant 416 : index
    %swap3A_347 = tpu.vector_load %arg8[%swap3A_346] {strides = array<i32>} : memref<512xf32, #tpu.memory_space<vmem>>, vector<16xf32>,
    %swap3A_348 = vector.shape_cast %swap3A_347 : vector<16xf32> to vector<16xf32>
    %swap3A_349 = vector.shape_cast %mul3A_345 : vector<16xf32> to vector<16xf32>
    tpu.vector_store %arg8[%swap3A_346], %swap3A_349 {strides = array<i32>} : memref<512xf32, #tpu.memory_space<vmem>>, vector<16xf32>,
    %get3A_350 = arith.constant 432 : index
    %get3A_351 = tpu.vector_load %arg8[%get3A_350] {strides = array<i32>} : memref<512xf32, #tpu.memory_space<vmem>>, vector<16xf32>,
    %get3A_352 = vector.shape_cast %get3A_351 : vector<16xf32> to vector<16xf32>
    %add3A_353 = arith.addf %get3A_352, %sub3A_53 : vector<16xf32>
    %mul3A_354 = arith.mulf %add3A_353, %div3A_59 : vector<16xf32>
    %swap3A_355 = arith.constant 432 : index
    %swap3A_356 = tpu.vector_load %arg8[%swap3A_355] {strides = array<i32>} : memref<512xf32, #tpu.memory_space<vmem>>, vector<16xf32>,
    %swap3A_357 = vector.shape_cast %swap3A_356 : vector<16xf32> to vector<16xf32>
    %swap3A_358 = vector.shape_cast %mul3A_354 : vector<16xf32> to vector<16xf32>
    tpu.vector_store %arg8[%swap3A_355], %swap3A_358 {strides = array<i32>} : memref<512xf32, #tpu.memory_space<vmem>>, vector<16xf32>,
    %get3A_359 = arith.constant 448 : index
    %get3A_360 = tpu.vector_load %arg8[%get3A_359] {strides = array<i32>} : memref<512xf32, #tpu.memory_space<vmem>>, vector<16xf32>,
    %get3A_361 = vector.shape_cast %get3A_360 : vector<16xf32> to vector<16xf32>
    %add3A_362 = arith.addf %get3A_361, %sub3A_53 : vector<16xf32>
    %mul3A_363 = arith.mulf %add3A_362, %div3A_59 : vector<16xf32>
    %swap3A_364 = arith.constant 448 : index
    %swap3A_365 = tpu.vector_load %arg8[%swap3A_364] {strides = array<i32>} : memref<512xf32, #tpu.memory_space<vmem>>, vector<16xf32>,
    %swap3A_366 = vector.shape_cast %swap3A_365 : vector<16xf32> to vector<16xf32>
    %swap3A_367 = vector.shape_cast %mul3A_363 : vector<16xf32> to vector<16xf32>
    tpu.vector_store %arg8[%swap3A_364], %swap3A_367 {strides = array<i32>} : memref<512xf32, #tpu.memory_space<vmem>>, vector<16xf32>,
    %get3A_368 = arith.constant 464 : index
    %get3A_369 = tpu.vector_load %arg8[%get3A_368] {strides = array<i32>} : memref<512xf32, #tpu.memory_space<vmem>>, vector<16xf32>,
    %get3A_370 = vector.shape_cast %get3A_369 : vector<16xf32> to vector<16xf32>
    %add3A_371 = arith.addf %get3A_370, %sub3A_53 : vector<16xf32>
    %mul3A_372 = arith.mulf %add3A_371, %div3A_59 : vector<16xf32>
    %swap3A_373 = arith.constant 464 : index
    %swap3A_374 = tpu.vector_load %arg8[%swap3A_373] {strides = array<i32>} : memref<512xf32, #tpu.memory_space<vmem>>, vector<16xf32>,
    %swap3A_375 = vector.shape_cast %swap3A_374 : vector<16xf32> to vector<16xf32>
    %swap3A_376 = vector.shape_cast %mul3A_372 : vector<16xf32> to vector<16xf32>
    tpu.vector_store %arg8[%swap3A_373], %swap3A_376 {strides = array<i32>} : memref<512xf32, #tpu.memory_space<vmem>>, vector<16xf32>,
    %get3A_377 = arith.constant 480 : index
    %get3A_378 = tpu.vector_load %arg8[%get3A_377] {strides = array<i32>} : memref<512xf32, #tpu.memory_space<vmem>>, vector<16xf32>,
    %get3A_379 = vector.shape_cast %get3A_378 : vector<16xf32> to vector<16xf32>
    %add3A_380 = arith.addf %get3A_379, %sub3A_53 : vector<16xf32>
    %mul3A_381 = arith.mulf %add3A_380, %div3A_59 : vector<16xf32>
    %swap3A_382 = arith.constant 480 : index
    %swap3A_383 = tpu.vector_load %arg8[%swap3A_382] {strides = array<i32>} : memref<512xf32, #tpu.memory_space<vmem>>, vector<16xf32>,
    %swap3A_384 = vector.shape_cast %swap3A_383 : vector<16xf32> to vector<16xf32>
    %swap3A_385 = vector.shape_cast %mul3A_381 : vector<16xf32> to vector<16xf32>
    tpu.vector_store %arg8[%swap3A_382], %swap3A_385 {strides = array<i32>} : memref<512xf32, #tpu.memory_space<vmem>>, vector<16xf32>,
    %get3A_386 = arith.constant 496 : index
    %get3A_387 = tpu.vector_load %arg8[%get3A_386] {strides = array<i32>} : memref<512xf32, #tpu.memory_space<vmem>>, vector<16xf32>,
    %get3A_388 = vector.shape_cast %get3A_387 : vector<16xf32> to vector<16xf32>
    %add3A_389 = arith.addf %get3A_388, %sub3A_53 : vector<16xf32>
    %mul3A_390 = arith.mulf %add3A_389, %div3A_59 : vector<16xf32>
    %swap3A_391 = arith.constant 496 : index
    %swap3A_392 = tpu.vector_load %arg8[%swap3A_391] {strides = array<i32>} : memref<512xf32, #tpu.memory_space<vmem>>, vector<16xf32>,
    %swap3A_393 = vector.shape_cast %swap3A_392 : vector<16xf32> to vector<16xf32>
    %swap3A_394 = vector.shape_cast %mul3A_390 : vector<16xf32> to vector<16xf32>
    tpu.vector_store %arg8[%swap3A_391], %swap3A_394 {strides = array<i32>} : memref<512xf32, #tpu.memory_space<vmem>>, vector<16xf32>,
    %add3A_395 = arith.constant 384 : i32
    %add3A_396 = arith.addi %mul3A_2, %add3A_395 : i32
    %dma_start3A_397 = arith.constant 384 : i32
    %dma_start3A_398 = tpu.memref_slice %arg8[%dma_start3A_397] : memref<512xf32, #tpu.memory_space<vmem>> -> memref<128xf32, #tpu.memory_space<vmem>>
    %dma_start3A_399 = tpu.memref_slice %arg6[%add3A_396] : memref<16384xf32, #tpu.memory_space<hbm>> -> memref<128xf32, #tpu.memory_space<hbm>>
    %dma_start3A_400 = tpu.memref_slice %arg6[%add3A_396] : memref<16384xf32, #tpu.memory_space<hbm>> -> memref<128xf32, #tpu.memory_space<hbm>>
    %dma_start3A_401 = arith.constant 384 : i32
    %dma_start3A_402 = tpu.memref_slice %arg8[%dma_start3A_401] : memref<512xf32, #tpu.memory_space<vmem>> -> memref<128xf32, #tpu.memory_space<vmem>>
    tpu.enqueue_dma source(%dma_start3A_402 : memref<128xf32, #tpu.memory_space<vmem>>) target(%dma_start3A_400 : memref<128xf32, #tpu.memory_space<hbm>>) target_semaphore(%arg17 : memref<!tpu.dma_semaphore, #tpu.memory_space<semaphore_mem>>)
    %dma_wait3A_403 = arith.constant 0 : i32
    %dma_wait3A_404 = tpu.memref_slice %arg8[%dma_wait3A_403] : memref<512xf32, #tpu.memory_space<vmem>> -> memref<128xf32, #tpu.memory_space<vmem>>
    %dma_wait3A_405 = tpu.memref_slice %arg6[%add3A_138] : memref<16384xf32, #tpu.memory_space<hbm>> -> memref<128xf32, #tpu.memory_space<hbm>>
    %dma_wait3A_406 = tpu.memref_slice %arg6[%add3A_138] : memref<16384xf32, #tpu.memory_space<hbm>> -> memref<128xf32, #tpu.memory_space<hbm>>
    %dma_wait3A_407 = arith.constant 0 : i32
    %dma_wait3A_408 = tpu.memref_slice %arg8[%dma_wait3A_407] : memref<512xf32, #tpu.memory_space<vmem>> -> memref<128xf32, #tpu.memory_space<vmem>>
    tpu.wait_dma2 semaphore(%arg17 : memref<!tpu.dma_semaphore, #tpu.memory_space<semaphore_mem>>) src(%dma_wait3A_408 : memref<128xf32, #tpu.memory_space<vmem>>) dst(%dma_wait3A_406 : memref<128xf32, #tpu.memory_space<hbm>>)
    %dma_wait3A_409 = arith.constant 128 : i32
    %dma_wait3A_410 = tpu.memref_slice %arg8[%dma_wait3A_409] : memref<512xf32, #tpu.memory_space<vmem>> -> memref<128xf32, #tpu.memory_space<vmem>>
    %dma_wait3A_411 = tpu.memref_slice %arg6[%add3A_224] : memref<16384xf32, #tpu.memory_space<hbm>> -> memref<128xf32, #tpu.memory_space<hbm>>
    %dma_wait3A_412 = tpu.memref_slice %arg6[%add3A_224] : memref<16384xf32, #tpu.memory_space<hbm>> -> memref<128xf32, #tpu.memory_space<hbm>>
    %dma_wait3A_413 = arith.constant 128 : i32
    %dma_wait3A_414 = tpu.memref_slice %arg8[%dma_wait3A_413] : memref<512xf32, #tpu.memory_space<vmem>> -> memref<128xf32, #tpu.memory_space<vmem>>
    tpu.wait_dma2 semaphore(%arg17 : memref<!tpu.dma_semaphore, #tpu.memory_space<semaphore_mem>>) src(%dma_wait3A_414 : memref<128xf32, #tpu.memory_space<vmem>>) dst(%dma_wait3A_412 : memref<128xf32, #tpu.memory_space<hbm>>)
    %dma_wait3A_415 = arith.constant 256 : i32
    %dma_wait3A_416 = tpu.memref_slice %arg8[%dma_wait3A_415] : memref<512xf32, #tpu.memory_space<vmem>> -> memref<128xf32, #tpu.memory_space<vmem>>
    %dma_wait3A_417 = tpu.memref_slice %arg6[%add3A_310] : memref<16384xf32, #tpu.memory_space<hbm>> -> memref<128xf32, #tpu.memory_space<hbm>>
    %dma_wait3A_418 = tpu.memref_slice %arg6[%add3A_310] : memref<16384xf32, #tpu.memory_space<hbm>> -> memref<128xf32, #tpu.memory_space<hbm>>
    %dma_wait3A_419 = arith.constant 256 : i32
    %dma_wait3A_420 = tpu.memref_slice %arg8[%dma_wait3A_419] : memref<512xf32, #tpu.memory_space<vmem>> -> memref<128xf32, #tpu.memory_space<vmem>>
    tpu.wait_dma2 semaphore(%arg17 : memref<!tpu.dma_semaphore, #tpu.memory_space<semaphore_mem>>) src(%dma_wait3A_420 : memref<128xf32, #tpu.memory_space<vmem>>) dst(%dma_wait3A_418 : memref<128xf32, #tpu.memory_space<hbm>>)
    %dma_wait3A_421 = arith.constant 384 : i32
    %dma_wait3A_422 = tpu.memref_slice %arg8[%dma_wait3A_421] : memref<512xf32, #tpu.memory_space<vmem>> -> memref<128xf32, #tpu.memory_space<vmem>>
    %dma_wait3A_423 = tpu.memref_slice %arg6[%add3A_396] : memref<16384xf32, #tpu.memory_space<hbm>> -> memref<128xf32, #tpu.memory_space<hbm>>
    %dma_wait3A_424 = tpu.memref_slice %arg6[%add3A_396] : memref<16384xf32, #tpu.memory_space<hbm>> -> memref<128xf32, #tpu.memory_space<hbm>>
    %dma_wait3A_425 = arith.constant 384 : i32
    %dma_wait3A_426 = tpu.memref_slice %arg8[%dma_wait3A_425] : memref<512xf32, #tpu.memory_space<vmem>> -> memref<128xf32, #tpu.memory_space<vmem>>
    tpu.wait_dma2 semaphore(%arg17 : memref<!tpu.dma_semaphore, #tpu.memory_space<semaphore_mem>>) src(%dma_wait3A_426 : memref<128xf32, #tpu.memory_space<vmem>>) dst(%dma_wait3A_424 : memref<128xf32, #tpu.memory_space<hbm>>)
    return
  }
}

</mosaic_0001>

<sc_bundles>
// kernel: kernel.3.cloned.1.call-start
scs
__scs_entry_jumppad:
0x0: {  	(pc) =	sbr.rel $0x88, $3  }
0x1: {  	(tag) =	ssettag $0x0;
	lr =	simm.s32 $0x1  }
0x2: {  	[smem:$0x3F9D] =	sst lr;
	_ =	strace $0xD0000000  }
0x3: {  	_ = 	snop  }
0x4: {  	_ = 	snop  }
0x5: {  	_ = 	snop  }
0x6: {  	_ = 	snop  }
0x7: {  	_ = 	snop  }
__scs_overlays_trampoline_lowered:
0x8: {  	[smem:$0x3FAC] =	sst s0  }
0x9: {  	[smem:$0x3FAD] =	sst s1  }
0xa: {  	[smem:$0x3FAE] =	sst s2  }
0xb: {  	[smem:$0x3FAF] =	sst s3  }
0xc: {  	[smem:$0x3FB0] =	sst s4  }
0xd: {  	[smem:$0x3FB1] =	sst s5  }
0xe: {  	[smem:$0x3FB2] =	sst s6  }
0xf: {  	[smem:$0x3FB3] =	sst s7  }
0x10: {  	[smem:$0x3FB4] =	sst s8  }
0x11: {  	[smem:$0x3FB5] =	sst s9;
	s0 =	simm.s32 @!p0 $0x0  }
0x12: {  	s1 =	sld [smem:$0x3F9B];
	s0 =	simm.s32 @p0 $0x1  }
0x13: {  	[smem:$0x3FB6] =	sst s0;
	s0 =	simm.s32 @!p1 $0x0  }
0x14: {  	s2 =	sld [smem:$0x3F9A];
	s0 =	simm.s32 @p1 $0x1  }
0x15: {  	[smem:$0x3FB7] =	sst s0;
	s0 =	simm.s32 @!p2 $0x0  }
0x16: {  	s3 =	sld [smem:$0x3FDB];
	s0 =	simm.s32 @p2 $0x1  }
0x17: {  	s4 =	simm.s32 $0x1BF5;
	[smem:$0x3FB9] =	sst s0  }
0x18: {  	s0 =	sld [smem:$0x3F9C];
	_ =	swait.ge [sflag:s4], $0x0  }
0x19: {  	s7 =	sld [smem:$0x3F9D]  }
0x1a: {  	s8 =	sadd.s32 $0xFFFFE003, lr  }
0x1b: {  	s9 =	sadd.s32 $0xFFFFFEF7, lr;
	s5 =	simm.s32 $0xFFFFFFFF;
	p2 =	slt.u32 s8, $0xFFFFF086  }
0x1c: {  	p1 =	slt.u32 s9, $0xF7A;
	s5 =	simm.s32 @!p2 $0x0  }
0x1d: {  	s5 =	simm.s32 @p1 $0x1;
	p0 =	seq.s32 s7, s2  }
0x1e: {  	s7 =	smul.u32 @!p0 $0xF7A, s2;
	p2 =	seq.s32 @!p0 s5, $0x0  }
0x1f: {  	s9 =	smul.u32 $0xF7A, s1;
	s8 =	simm.s32 @!p0 $0x1BF5;
	p2 =	por !p2, p0  }
0x20: {  	[sflag:s8] =	ssyncset.s32 @!p0 $0xFFFFF086;
	s6 =	sadd.s32 @!p0 s3, s7;
	s7 =	simm.s32 @!p0 $0x108  }
0x21: {  	s3 =	sadd.s32 s3, s9;
	s6 =	sadd.s32 @!p0 $0x88, s6;
	s7 =	simm.s32 @p2 $0x1082  }
0x22: {  	[simem:s7], [sflag:s8] =	dma.local @!p0 [hbm:s6], $0xF7A  }
0x23: {  	s9 =	sor.u32 $0xD0000000, s2;
	s6 =	simm.s32 $0x108;
	_ =	swait.ge @!p0 [sflag:s8], $0x0  }
0x24: {  	s3 =	sadd.s32 $0x88, s3;
	s6 =	simm.s32 @!p1 $0x1082;
	[sflag:s4] =	ssyncset.s32 $0xFFFFF086  }
0x25: {  	[simem:s6], [sflag:s4] =	dma.local [hbm:s3], $0xF7A  }
0x26: {  	[smem:$0x3F9D] =	sst s1;
	(tag) =	ssettag s2;
	_ =	strace s9  }
0x27: {  	s1 =	sld [smem:$0x3FAD]  }
0x28: {  	s2 =	sld [smem:$0x3FAE]  }
0x29: {  	s4 =	sld [smem:$0x3FB0]  }
0x2a: {  	p0 =	seq.s32 s5, $0x0;
	s5 =	sld [smem:$0x3FB1]  }
0x2b: {  	s6 =	sld [smem:$0x3FB2]  }
0x2c: {  	s7 =	sld [smem:$0x3FB3]  }
0x2d: {  	s3 =	simm.s32 $0x108;
	s8 =	sld [smem:$0x3FB4]  }
0x2e: {  	s3 =	simm.s32 @!p0 $0x1082;
	s9 =	sld [smem:$0x3FB5]  }
0x2f: {  	lr =	sadd.s32 s0, s3;
	s0 =	sld [smem:$0x3FAC]  }
0x30: {  	s3 =	sld [smem:$0x3FAF]  }
0x31: {  	[smem:$0x3FB8] =	sst s10  }
0x32: {  	s10 =	sld [smem:$0x3FB6];
	_ =	sdelay $0x3  }
0x33: {  	p0 =	seq.s32 s10, $0x1;
	s10 =	sld [smem:$0x3FB8];
	_ =	sdelay $0x3  }
0x34: {  	[smem:$0x3FB8] =	sst s10  }
0x35: {  	s10 =	sld [smem:$0x3FB7];
	_ =	sdelay $0x3  }
0x36: {  	p1 =	seq.s32 s10, $0x1;
	s10 =	sld [smem:$0x3FB8];
	_ =	sdelay $0x3  }
0x37: {  	[smem:$0x3FB8] =	sst s10  }
0x38: {  	s10 =	sld [smem:$0x3FB9]  }
0x39: {  	_ = 	snop;
	(pc) =	sbr.ind lr, $3  }
0x3a: {  	_ = 	snop  }
0x3b: {  	_ = 	snop  }
0x3c: {  	p2 =	seq.s32 s10, $0x1;
	s10 =	sld [smem:$0x3FB8]  }
0x3d: {  	_ =	shalt  }
0x3e: {  	_ =	shalt  }
0x3f: {  	_ =	shalt  }
0x40: {  	_ =	shalt  }
0x41: {  	_ =	shalt  }
0x42: {  	_ =	shalt  }
0x43: {  	_ =	shalt  }
0x44: {  	_ =	shalt  }
0x45: {  	_ =	shalt  }
0x46: {  	_ =	shalt  }
0x47: {  	_ =	shalt  }
0x48: {  	_ =	shalt  }
0x49: {  	_ =	shalt  }
0x4a: {  	_ =	shalt  }
0x4b: {  	_ =	shalt  }
0x4c: {  	_ =	shalt  }
0x4d: {  	_ =	shalt  }
0x4e: {  	_ =	shalt  }
0x4f: {  	_ =	shalt  }
0x50: {  	_ =	shalt  }
0x51: {  	_ =	shalt  }
0x52: {  	_ =	shalt  }
0x53: {  	_ =	shalt  }
0x54: {  	_ =	shalt  }
0x55: {  	_ =	shalt  }
0x56: {  	_ =	shalt  }
0x57: {  	_ =	shalt  }
0x58: {  	_ =	shalt  }
0x59: {  	_ =	shalt  }
0x5a: {  	_ =	shalt  }
0x5b: {  	_ =	shalt  }
0x5c: {  	_ =	shalt  }
0x5d: {  	_ =	shalt  }
0x5e: {  	_ =	shalt  }
0x5f: {  	_ =	shalt  }
0x60: {  	_ =	shalt  }
0x61: {  	_ =	shalt  }
0x62: {  	_ =	shalt  }
0x63: {  	_ =	shalt  }
0x64: {  	_ =	shalt  }
0x65: {  	_ =	shalt  }
0x66: {  	_ =	shalt  }
0x67: {  	_ =	shalt  }
0x68: {  	_ =	shalt  }
0x69: {  	_ =	shalt  }
0x6a: {  	_ =	shalt  }
0x6b: {  	_ =	shalt  }
0x6c: {  	_ =	shalt  }
0x6d: {  	_ =	shalt  }
0x6e: {  	_ =	shalt  }
0x6f: {  	_ =	shalt  }
0x70: {  	_ =	shalt  }
0x71: {  	_ =	shalt  }
0x72: {  	_ =	shalt  }
0x73: {  	_ =	shalt  }
0x74: {  	_ =	shalt  }
0x75: {  	_ =	shalt  }
0x76: {  	_ =	shalt  }
0x77: {  	_ =	shalt  }
0x78: {  	_ =	shalt  }
0x79: {  	_ =	shalt  }
0x7a: {  	_ =	shalt  }
0x7b: {  	_ =	shalt  }
0x7c: {  	_ =	shalt  }
0x7d: {  	_ =	shalt  }
0x7e: {  	_ =	shalt  }
0x7f: {  	_ =	shalt  }
0x80: {  	_ =	shalt  }
0x81: {  	_ =	shalt  }
0x82: {  	_ =	shalt  }
0x83: {  	_ =	shalt  }
0x84: {  	_ =	shalt  }
0x85: {  	_ =	shalt  }
0x86: {  	_ =	shalt  }
0x87: {  	_ =	shalt  }
.Lfunc_end0:
.L_simem_size_0:
called_computation_lowered:
.L_overlay_start_0:
0x88: {  	s2 =	sld [smem:$0x3FD9]  }
0x89: {  	s3 =	sld [smem:$0x3FFE];
	_ =	sdelay $0x1  }
0x8a: {  	s1 =	srdreg.scid  }
0x8b: {  	s0 =	sand.u32 $0x1, s1  }
0x8c: {  	s17 =	sshll.u32 s0, $0xA;
	s2 =	sadd.s32 s3, s2  }
0x8d: {  	s2 =	sadd.s32 s2, s17  }
0x8e: {  	[smem:$0x3FC4] =	sst s2  }
0x8f: {  	_ = 	snop  }
0x90: {  	s2 =	sld [smem:$0x3FC9]  }
0x91: {  	s18 =	sld [smem:$0x3FC7]  }
0x92: {  	s4 =	sld [smem:$0x3FC6]  }
0x93: {  	s5 =	sld [smem:$0x3FD0];
	(tm) =	ssettm $0x1  }
0x94: {  	s6 =	sld [smem:$0x3FFB];
	_ =	sdelay $0x3  }
0x95: {  	_ =	strace s6  }
0x96: {  	s6 =	sld [smem:$0x3FFC];
	_ =	sdelay $0x3  }
0x97: {  	_ =	strace s6  }
0x98: {  	s6 =	sld [smem:$0x3FFD];
	_ =	sdelay $0x3  }
0x99: {  	_ =	strace s6  }
0x9a: {  	_ =	strace $0x8FFFFFFF  }
0x9b: {  	s19 =	sld [smem:$0x3FDB];
	_ =	sdelay $0x1  }
0x9c: {  	s7 =	simm.s32 $_scs_section_size  }
0x9d: {  	s8 =	simm.s32 $_size__tile_overlayer_lowered;
	s9 =	simm.s32 $_tile_overlayer_lowered  }
0x9e: {  	s22 =	simm.s32 $0x1BFF;
	s21 =	sshll.u32 s9, $0x1;
	s6 =	sadd.s32 s7, s19  }
0x9f: {  	s10 =	simm.s32 $0x0;
	s20 =	sshll.u32 s8, $0x1;
	s8 =	sadd.s32 s21, s6  }
0xa0: {  	[timem:s10], [sflag:s22] =	dma.local [hbm:s8], s20  }
0xa1: {  	_ =	swait.ge [sflag:s22], s20  }
0xa2: {  	s7 =	ssub.s32 $0x0, s20;
	[sflag:s22] =	ssyncset.done $0x0  }
0xa3: {  	[sflag:s22] =	ssyncadd.s32 s7;
	_ =	sdelay $0x1  }
0xa4: {  	s23 =	simm.s32 $0x1B8B  }
0xa5: {  	_ =	swait.ge [sflag:s23], $0x1  }
0xa6: {  	[sflag:s23] =	ssyncset.done $0x0  }
0xa7: {  	s25 =	simm.s32 $0x1B8E;
	s24 =	sld [smem:$0x3FFE];
	[sflag:s23] =	ssyncadd.s32 $0xFFFFFFFF  }
0xa8: {  	s26 =	simm.s32 $execute0_lowered;
	[smem:$0x3FD2] =	sst s25  }
0xa9: {  	s8 =	sshll.u32 s26, $0x1;
	_ =	strace $0x80000046;
	[dreg:$0x1] =	wrdreg $0xFFFFFFFF  }
0xaa: {  	s28 =	simm.s32 $_size_execute0_lowered;
	s6 =	sadd.s32 s6, s8;
	[dreg:$0x0] =	wrdreg $0x0  }
0xab: {  	s8 =	sshll.u32 s28, $0x1;
	[dreg:$0x2] =	wrdreg s6  }
0xac: {  	[dreg:$0x3] =	wrdreg s8  }
0xad: {  	[dreg:$0x4] =	wrdreg $0xC0  }
0xae: {  	_ =	task [dreg:s10], $0x5FFFF  }
0xaf: {  	[dreg:$0x1] =	wrdreg $0xFFFFFFFF  }
0xb0: {  	[dreg:$0x0] =	wrdreg $0x60  }
0xb1: {  	[dreg:$0x2] =	wrdreg s2  }
0xb2: {  	[dreg:$0x3] =	wrdreg s24  }
0xb3: {  	[dreg:$0x4] =	wrdreg s18  }
0xb4: {  	[dreg:$0x5] =	wrdreg s4  }
0xb5: {  	[dreg:$0x6] =	wrdreg s5  }
0xb6: {  	[dreg:$0x7] =	wrdreg $0x9  }
0xb7: {  	_ =	task.clear_ibuf [dreg:s10], $0x8FFFF;
	_ =	strace $0x90000046  }
0xb8: {  	s29 =	simm.s32 $0x9;
	_ =	strace $0x80000048  }
0xb9: {  	_ =	swait.ge [sflag:s29], $0x1  }
0xba: {  	[sflag:s29] =	ssyncadd.s32 $0xFFFFFFFF  }
0xbb: {  	_ =	strace $0x90000048  }
0xbc: {  	_ =	sfence  }
0xbd: {  	s30 =	sld [smem:$0x0];
	_ =	sdelay $0x2  }
0xbe: {  	s31 =	sshll.u32 s1, $0xD;
	s1 =	sshrl.u32 s1, $0x2  }
0xbf: {  	s3 =	sand.u32 $0x4000, s31;
	s1 =	sadd.s32 s1, s30  }
0xc0: {  	s0 =	sor.u32 s3, s0;
	s1 =	sshll.u32 s1, $0x11  }
0xc1: {  	s0 =	sor.u32 s1, s0  }
0xc2: {  	s0 =	sadd.s32 $0x8F2B, s0  }
0xc3: {  	[sflag:s0] =	ssyncadd.remote.s32 $0x1  }
0xc4: {  	_ =	sfence.sel $0xFFFF  }
0xc5: {  	[dreg:$0x0] =	wrdreg $0xFFFFFFFF;
	(pc) =	sbr.abs _section_cstart, $3  }
0xc6: {  	[dreg:$0x1] =	wrdreg $0xFFFFFFFF  }
0xc7: {  	_ =	task.clear_ibuf [dreg:s10], $0x2FFFF;
	_ =	strace $0x9FFFFFFF  }
0xc8: {  	(tm) =	ssettm $0x7FFFFFFF  }
0xc9: {  	_ =	shalt  }
tec
execute0_lowered:
.L_overlay_start_1:
0x0: {  	(tag) =	ssettag $0x1  }
0x1: {  	s3 =	rddreg [dreg:$0x0]  }
0x2: {  	s4 =	rddreg [dreg:$0x1]  }
0x3: {  	s5 =	rddreg [dreg:$0x2]  }
0x4: {  	s6 =	rddreg [dreg:$0x3];
	s2 =	srdreg.scid  }
0x5: {  	s20 =	rddreg [dreg:$0x4];
	s1 =	stileid.u32;
	s19 =	sand.u32 $0x1, s2  }
0x6: {  	s2 =	simm.s32 $0x0;
	s7 =	sshll.u32 s1, $0x7;
	s8 =	sshll.u32 s19, $0x6  }
0x7: {  	[smem:$0x7FF] =	sst s2;
	s21 =	sor.u32 s8, s7  }
0x8: {  	s0 =	rddreg [dreg:$0x5];
	_ =	strace $0x80000047;
	s8 =	sadd.s32 s3, s21  }
0x9: {  	[tilespmem:s2], [sflag:$0x1] =	stream.linear.gather [hbm4b:s8+s2], $0x200, $0x38;
	[tilespmem:$0x500] =	vst v63  }
0xa: {  	s9 =	simm.s32 $0x400  }
0xb: {  	[tilespmem:s9], [sflag:$0x2] =	stream.linear.gather [hbm4b:s5+s2], $0x1, $0x38;
	[tilespmem:$0x500] =	vst v63  }
0xc: {  	s10 =	simm.s32 $0x480;
	s11 =	simm.s32 $0x1  }
0xd: {  	[tilespmem:s10], [sflag:$0x2] =	stream.linear.gather [hbm4b:s6+s2], $0x1, $0x38;
	[tilespmem:$0x500] =	vst v63  }
0xe: {  	_ =	swait.ge [sflag:s11], $0x200  }
0xf: {  	[sflag:s11] =	ssyncset.done $0x0  }
0x10: {  	s12 =	simm.s32 $0x80;
	s13 =	simm.s32 $0x200;
	[sflag:s11] =	ssyncadd.s32 $0xFFFFFE00  }
0x11: {  	[tilespmem:s13], [sflag:$0x3] =	stream.indirect.gather [hbm4b:s4+s12], $0x1, s2, s12, $0xb8;
	[tilespmem:$0x500] =	vst v63  }
0x12: {  	s14 =	simm.s32 $0x280  }
0x13: {  	[tilespmem:s14], [sflag:$0x4] =	stream.indirect.gather [hbm4b:s4+s12], $0x1, s12, s12, $0xb8;
	[tilespmem:$0x500] =	vst v63  }
0x14: {  	s15 =	simm.s32 $0x100;
	s7 =	simm.s32 $0x300  }
0x15: {  	[tilespmem:s7], [sflag:$0x5] =	stream.indirect.gather [hbm4b:s4+s12], $0x1, s15, s12, $0xb8;
	[tilespmem:$0x500] =	vst v63  }
0x16: {  	s16 =	simm.s32 $0x180;
	s17 =	simm.s32 $0x2;
	s3 =	simm.s32 $0x380  }
0x17: {  	[tilespmem:s3], [sflag:$0x6] =	stream.indirect.gather [hbm4b:s4+s12], $0x1, s16, s12, $0xb8;
	[tilespmem:$0x500] =	vst v63  }
0x18: {  	_ =	swait.ge [sflag:s17], $0x1  }
0x19: {  	[sflag:s17] =	ssyncset.done $0x0  }
0x1a: {  	[sflag:s17] =	ssyncadd.s32 $0xFFFFFFFF  }
0x1b: {  	_ =	swait.ge [sflag:s17], $0x1  }
0x1c: {  	[sflag:s17] =	ssyncset.done $0x0  }
0x1d: {  	[sflag:s17] =	ssyncadd.s32 $0xFFFFFFFF  }
0x1e: {  	v0 =	vld [tilespmem:$0x480];
	_ =	sdelay $0x4  }
0x1f: {  	v0 =	vadd.f32 $0.0e+00, v0;
	_ =	sdelay $0x1  }
0x20: {  	s18 =	simm.s32 $0x3;
	v0 =	vbroadcast v0, $0x0  }
0x21: {  	v1 =	vld [tilespmem:$0x400];
	_ =	swait.ge [sflag:s18], $0x80  }
0x22: {  	(erf) = vrcp.f32 v0  }
0x23: {  	[sflag:s18] =	ssyncset.done $0x0  }
0x24: {  	[sflag:s18] =	ssyncadd.s32 $0xFFFFFF80  }
0x25: {  	v2 =	vld [tilespmem:$0x200]  }
0x26: {  	v0 =	vsub.f32 $0.0e+00, v1;
	v1 =	vld [tilespmem:$0x250]  }
0x27: {  	v3 =	vld [tilespmem:$0x210]  }
0x28: {  	v4 =	vld [tilespmem:$0x240];
	v0 =	vbroadcast v0, $0x0  }
0x29: {  	v5 =	vld [tilespmem:$0x230]  }
0x2a: {  	v6 =	vld [tilespmem:$0x260];
	v2 =	vadd.f32 v2, v0  }
0x2b: {  	v8 =	vld [tilespmem:$0x270];
	v7 =	vadd.f32 v1, v0;
	v1 =	vpop (erf)  }
0x2c: {  	v9 =	vld [tilespmem:$0x220];
	v3 =	vadd.f32 v3, v0;
	v2 =	vmul.f32 v2, v1  }
0x2d: {  	v4 =	vadd.f32 v4, v0;
	v7 =	vmul.f32 v7, v1  }
0x2e: {  	[tilespmem:$0x200] =	vst v2;
	v2 =	vmul.f32 v3, v1;
	v3 =	vadd.f32 v5, v0  }
0x2f: {  	v4 =	vmul.f32 v4, v1;
	[tilespmem:$0x250] =	vst v7;
	v5 =	vadd.f32 v6, v0  }
0x30: {  	[tilespmem:$0x210] =	vst v2;
	v2 =	vmul.f32 v3, v1;
	v3 =	vadd.f32 v8, v0  }
0x31: {  	v6 =	vadd.f32 v9, v0;
	[tilespmem:$0x240] =	vst v4;
	v4 =	vmul.f32 v5, v1  }
0x32: {  	[tilespmem:$0x230] =	vst v2;
	v2 =	vmul.f32 v3, v1  }
0x33: {  	v3 =	vmul.f32 v6, v1;
	[tilespmem:$0x260] =	vst v4  }
0x34: {  	[tilespmem:$0x270] =	vst v2  }
0x35: {  	s22 =	simm.s32 $0x4;
	s21 =	sadd.s32 s20, s21;
	[tilespmem:$0x220] =	vst v3  }
0x36: {  	[hbm4b:s21+s2] =	stream.linear.scatter [tilespmem:s13], [sflag:$0x7], $0x80, $0x38;
	[tilespmem:$0x500] =	vst v63  }
0x37: {  	_ =	swait.ge [sflag:s22], $0x80  }
0x38: {  	[sflag:s22] =	ssyncset.done $0x0  }
0x39: {  	[sflag:s22] =	ssyncadd.s32 $0xFFFFFF80  }
0x3a: {  	v2 =	vld [tilespmem:$0x280]  }
0x3b: {  	v3 =	vld [tilespmem:$0x2A0]  }
0x3c: {  	v4 =	vld [tilespmem:$0x2B0]  }
0x3d: {  	v5 =	vld [tilespmem:$0x2C0]  }
0x3e: {  	v6 =	vld [tilespmem:$0x2D0]  }
0x3f: {  	v7 =	vld [tilespmem:$0x2E0];
	v2 =	vadd.f32 v2, v0  }
0x40: {  	v8 =	vld [tilespmem:$0x2F0];
	v3 =	vadd.f32 v3, v0  }
0x41: {  	v9 =	vld [tilespmem:$0x290];
	v4 =	vadd.f32 v4, v0;
	v2 =	vmul.f32 v2, v1  }
0x42: {  	v5 =	vadd.f32 v5, v0;
	v3 =	vmul.f32 v3, v1  }
0x43: {  	[tilespmem:$0x280] =	vst v2;
	v2 =	vmul.f32 v4, v1;
	v4 =	vadd.f32 v6, v0  }
0x44: {  	[tilespmem:$0x2A0] =	vst v3;
	v3 =	vmul.f32 v5, v1;
	v5 =	vadd.f32 v7, v0  }
0x45: {  	[tilespmem:$0x2B0] =	vst v2;
	v2 =	vmul.f32 v4, v1;
	v4 =	vadd.f32 v8, v0  }
0x46: {  	[tilespmem:$0x2C0] =	vst v3;
	v3 =	vmul.f32 v5, v1;
	v5 =	vadd.f32 v9, v0  }
0x47: {  	[tilespmem:$0x2D0] =	vst v2;
	v2 =	vmul.f32 v4, v1  }
0x48: {  	[tilespmem:$0x2E0] =	vst v3;
	v3 =	vmul.f32 v5, v1  }
0x49: {  	[tilespmem:$0x2F0] =	vst v2  }
0x4a: {  	s26 =	simm.s32 $0x5;
	s25 =	sadd.s32 $0x10, s21;
	[tilespmem:$0x290] =	vst v3  }
0x4b: {  	[hbm4b:s25+s2] =	stream.linear.scatter [tilespmem:s14], [sflag:$0x7], $0x80, $0x38;
	[tilespmem:$0x500] =	vst v63  }
0x4c: {  	s19 =	ssub.s32 $0x2, s19;
	_ =	swait.ge [sflag:s26], $0x80  }
0x4d: {  	s31 =	sshrl.u32 s19, $0x1;
	[sflag:s26] =	ssyncset.done $0x0  }
0x4e: {  	s19 =	ssub.s32 s19, s31;
	[sflag:s26] =	ssyncadd.s32 $0xFFFFFF80  }
0x4f: {  	s19 =	smax.u32 s19, $0x1;
	v2 =	vld [tilespmem:$0x340]  }
0x50: {  	p0 =	sne.s32 s19, $0x1;
	v8 =	vld [tilespmem:$0x370]  }
.Ltmp0:
0x51: {  	v5 =	vld [tilespmem:$0x330];
	(pc) =	sbr.rel @!p0 .LBB2_2-.Ltmp0, $4  }
0x52: {  	v6 =	vld [tilespmem:$0x320]  }
0x53: {  	v3 =	vld [tilespmem:$0x350]  }
0x54: {  	s24 =	simm.s32 $0x6;
	s23 =	sadd.s32 $0x20, s21;
	v7 =	vld [tilespmem:$0x310]  }
0x55: {  	s20 =	sadd.s32 $0x30, s21;
	s28 =	sadd.s32 $0xFFFFFFFF, s19;
	s19 =	simm.s32 $0x7;
	v4 =	vld [tilespmem:$0x300];
	v2 =	vadd.f32 v2, v0;
	v8 =	vadd.f32 v8, v0  }
.LBB2_1:
0x56: {  	p0 =	sne.s32 s28, $0x1;
	s28 =	sadd.s32 $0xFFFFFFFF, s28;
	v5 =	vadd.f32 v5, v0;
	v9 =	vld [tilespmem:$0x360]  }
0x57: {  	v6 =	vadd.f32 v6, v0;
	v8 =	vmul.f32 v8, v1  }
0x58: {  	v5 =	vmul.f32 v5, v1;
	v3 =	vadd.f32 v3, v0  }
0x59: {  	v7 =	vadd.f32 v7, v0;
	v6 =	vmul.f32 v6, v1;
	[tilespmem:$0x370] =	vst v8  }
0x5a: {  	v4 =	vadd.f32 v4, v0;
	[tilespmem:$0x330] =	vst v5  }
0x5b: {  	v3 =	vmul.f32 v3, v1;
	v5 =	vmul.f32 v7, v1;
	[tilespmem:$0x320] =	vst v6;
	v6 =	vadd.f32 v9, v0  }
0x5c: {  	v4 =	vmul.f32 v4, v1  }
0x5d: {  	v2 =	vmul.f32 v2, v1;
	[tilespmem:$0x310] =	vst v5;
	v5 =	vmul.f32 v6, v1  }
0x5e: {  	[tilespmem:$0x350] =	vst v3  }
0x5f: {  	[tilespmem:$0x360] =	vst v5  }
0x60: {  	[tilespmem:$0x300] =	vst v4  }
0x61: {  	[tilespmem:$0x340] =	vst v2  }
0x62: {  	[hbm4b:s23+s2] =	stream.linear.scatter [tilespmem:s7], [sflag:$0x7], $0x80, $0x38;
	[tilespmem:$0x500] =	vst v63  }
0x63: {  	_ =	swait.ge [sflag:s24], $0x80  }
0x64: {  	[sflag:s24] =	ssyncset.done $0x0  }
0x65: {  	[sflag:s24] =	ssyncadd.s32 $0xFFFFFF80  }
0x66: {  	v2 =	vld [tilespmem:$0x380]  }
0x67: {  	v3 =	vld [tilespmem:$0x390]  }
0x68: {  	v4 =	vld [tilespmem:$0x3A0]  }
0x69: {  	v5 =	vld [tilespmem:$0x3B0]  }
0x6a: {  	v6 =	vld [tilespmem:$0x3C0]  }
0x6b: {  	v2 =	vadd.f32 v2, v0;
	v7 =	vld [tilespmem:$0x3E0]  }
0x6c: {  	v3 =	vadd.f32 v3, v0;
	v8 =	vld [tilespmem:$0x3F0]  }
0x6d: {  	v2 =	vmul.f32 v2, v1;
	v4 =	vadd.f32 v4, v0;
	v9 =	vld [tilespmem:$0x3D0]  }
0x6e: {  	v3 =	vmul.f32 v3, v1;
	v5 =	vadd.f32 v5, v0  }
0x6f: {  	[tilespmem:$0x380] =	vst v2;
	v2 =	vmul.f32 v4, v1;
	v4 =	vadd.f32 v6, v0  }
0x70: {  	[tilespmem:$0x390] =	vst v3;
	v3 =	vmul.f32 v5, v1;
	v5 =	vadd.f32 v7, v0  }
0x71: {  	[tilespmem:$0x3A0] =	vst v2;
	v2 =	vmul.f32 v4, v1;
	v4 =	vadd.f32 v8, v0  }
0x72: {  	[tilespmem:$0x3B0] =	vst v3;
	v0 =	vadd.f32 v9, v0;
	v3 =	vmul.f32 v5, v1  }
0x73: {  	[tilespmem:$0x3C0] =	vst v2;
	v2 =	vmul.f32 v4, v1  }
0x74: {  	v0 =	vmul.f32 v0, v1;
	[tilespmem:$0x3E0] =	vst v3  }
0x75: {  	[tilespmem:$0x3F0] =	vst v2  }
0x76: {  	[tilespmem:$0x3D0] =	vst v0  }
0x77: {  	[hbm4b:s20+s2] =	stream.linear.scatter [tilespmem:s3], [sflag:$0x7], $0x80, $0x38;
	[tilespmem:$0x500] =	vst v63  }
0x78: {  	_ =	swait.ge [sflag:s19], $0x80  }
0x79: {  	[sflag:s19] =	ssyncset.done $0x0  }
0x7a: {  	[sflag:s19] =	ssyncadd.s32 $0xFFFFFF80  }
0x7b: {  	_ =	swait.ge [sflag:s19], $0x80  }
0x7c: {  	[sflag:s19] =	ssyncset.done $0x0  }
0x7d: {  	[sflag:s19] =	ssyncadd.s32 $0xFFFFFF80  }
0x7e: {  	_ =	swait.ge [sflag:s19], $0x80  }
0x7f: {  	[sflag:s19] =	ssyncset.done $0x0  }
0x80: {  	[sflag:s19] =	ssyncadd.s32 $0xFFFFFF80  }
0x81: {  	_ =	swait.ge [sflag:s19], $0x80  }
0x82: {  	[sflag:s19] =	ssyncset.done $0x0  }
0x83: {  	[sflag:s19] =	ssyncadd.s32 $0xFFFFFF80  }
0x84: {  	[tilespmem:s2], [sflag:$0x1] =	stream.linear.gather [hbm4b:s8+s2], $0x200, $0x38;
	[tilespmem:$0x500] =	vst v63  }
0x85: {  	_ = 	snop  }
0x86: {  	[tilespmem:s9], [sflag:$0x2] =	stream.linear.gather [hbm4b:s5+s2], $0x1, $0x38;
	[tilespmem:$0x500] =	vst v63  }
0x87: {  	_ = 	snop  }
0x88: {  	[tilespmem:s10], [sflag:$0x2] =	stream.linear.gather [hbm4b:s6+s2], $0x1, $0x38;
	[tilespmem:$0x500] =	vst v63  }
0x89: {  	_ =	swait.ge [sflag:s11], $0x200  }
0x8a: {  	[sflag:s11] =	ssyncset.done $0x0  }
0x8b: {  	[sflag:s11] =	ssyncadd.s32 $0xFFFFFE00  }
0x8c: {  	[tilespmem:s13], [sflag:$0x3] =	stream.indirect.gather [hbm4b:s4+s12], $0x1, s2, s12, $0xb8;
	[tilespmem:$0x500] =	vst v63  }
0x8d: {  	_ = 	snop  }
0x8e: {  	[tilespmem:s14], [sflag:$0x4] =	stream.indirect.gather [hbm4b:s4+s12], $0x1, s12, s12, $0xb8;
	[tilespmem:$0x500] =	vst v63  }
0x8f: {  	_ = 	snop  }
0x90: {  	[tilespmem:s7], [sflag:$0x5] =	stream.indirect.gather [hbm4b:s4+s12], $0x1, s15, s12, $0xb8;
	[tilespmem:$0x500] =	vst v63  }
0x91: {  	_ = 	snop  }
0x92: {  	[tilespmem:s3], [sflag:$0x6] =	stream.indirect.gather [hbm4b:s4+s12], $0x1, s16, s12, $0xb8;
	[tilespmem:$0x500] =	vst v63  }
0x93: {  	_ =	swait.ge [sflag:s17], $0x1  }
0x94: {  	[sflag:s17] =	ssyncset.done $0x0  }
0x95: {  	[sflag:s17] =	ssyncadd.s32 $0xFFFFFFFF  }
0x96: {  	_ =	swait.ge [sflag:s17], $0x1  }
0x97: {  	[sflag:s17] =	ssyncset.done $0x0  }
0x98: {  	[sflag:s17] =	ssyncadd.s32 $0xFFFFFFFF  }
0x99: {  	v0 =	vld [tilespmem:$0x400]  }
0x9a: {  	v1 =	vld [tilespmem:$0x480]  }
0x9b: {  	_ =	swait.ge [sflag:s18], $0x80;
	_ =	sdelay $0x3  }
0x9c: {  	v1 =	vadd.f32 $0.0e+00, v1;
	_ =	sdelay $0x1  }
0x9d: {  	v1 =	vbroadcast v1, $0x0;
	_ =	sdelay $0x1  }
0x9e: {  	(erf) = vrcp.f32 v1  }
0x9f: {  	v0 =	vsub.f32 $0.0e+00, v0;
	[sflag:s18] =	ssyncset.done $0x0  }
0xa0: {  	[sflag:s18] =	ssyncadd.s32 $0xFFFFFF80  }
0xa1: {  	v0 =	vbroadcast v0, $0x0;
	v1 =	vld [tilespmem:$0x200]  }
0xa2: {  	v2 =	vld [tilespmem:$0x250]  }
0xa3: {  	v3 =	vld [tilespmem:$0x210]  }
0xa4: {  	v4 =	vld [tilespmem:$0x240]  }
0xa5: {  	v5 =	vld [tilespmem:$0x230]  }
0xa6: {  	v6 =	vadd.f32 v1, v0;
	v7 =	vld [tilespmem:$0x260]  }
0xa7: {  	v2 =	vadd.f32 v2, v0;
	v8 =	vld [tilespmem:$0x270];
	v1 =	vpop (erf)  }
0xa8: {  	v6 =	vmul.f32 v6, v1;
	v3 =	vadd.f32 v3, v0;
	v9 =	vld [tilespmem:$0x220]  }
0xa9: {  	v4 =	vadd.f32 v4, v0;
	v2 =	vmul.f32 v2, v1  }
0xaa: {  	[tilespmem:$0x200] =	vst v6;
	v3 =	vmul.f32 v3, v1;
	v5 =	vadd.f32 v5, v0  }
0xab: {  	v4 =	vmul.f32 v4, v1;
	[tilespmem:$0x250] =	vst v2;
	v2 =	vadd.f32 v7, v0  }
0xac: {  	[tilespmem:$0x210] =	vst v3;
	v3 =	vmul.f32 v5, v1;
	v5 =	vadd.f32 v8, v0  }
0xad: {  	v6 =	vadd.f32 v9, v0;
	[tilespmem:$0x240] =	vst v4;
	v2 =	vmul.f32 v2, v1  }
0xae: {  	[tilespmem:$0x230] =	vst v3;
	v3 =	vmul.f32 v5, v1  }
0xaf: {  	v4 =	vmul.f32 v6, v1;
	[tilespmem:$0x260] =	vst v2  }
0xb0: {  	[tilespmem:$0x270] =	vst v3  }
0xb1: {  	[tilespmem:$0x220] =	vst v4  }
0xb2: {  	[hbm4b:s21+s2] =	stream.linear.scatter [tilespmem:s13], [sflag:$0x7], $0x80, $0x38;
	[tilespmem:$0x500] =	vst v63  }
0xb3: {  	_ =	swait.ge [sflag:s22], $0x80  }
0xb4: {  	[sflag:s22] =	ssyncset.done $0x0  }
0xb5: {  	[sflag:s22] =	ssyncadd.s32 $0xFFFFFF80  }
0xb6: {  	v2 =	vld [tilespmem:$0x280]  }
0xb7: {  	v3 =	vld [tilespmem:$0x2A0]  }
0xb8: {  	v4 =	vld [tilespmem:$0x2B0]  }
0xb9: {  	v5 =	vld [tilespmem:$0x2C0]  }
0xba: {  	v6 =	vld [tilespmem:$0x2D0]  }
0xbb: {  	v2 =	vadd.f32 v2, v0;
	v7 =	vld [tilespmem:$0x2E0]  }
0xbc: {  	v3 =	vadd.f32 v3, v0;
	v8 =	vld [tilespmem:$0x2F0]  }
0xbd: {  	v2 =	vmul.f32 v2, v1;
	v4 =	vadd.f32 v4, v0  }
0xbe: {  	v9 =	vld [tilespmem:$0x290];
	v3 =	vmul.f32 v3, v1;
	v5 =	vadd.f32 v5, v0  }
0xbf: {  	[tilespmem:$0x280] =	vst v2;
	v2 =	vmul.f32 v4, v1;
	v4 =	vadd.f32 v6, v0  }
0xc0: {  	[tilespmem:$0x2A0] =	vst v3;
	v3 =	vmul.f32 v5, v1;
	v5 =	vadd.f32 v7, v0  }
0xc1: {  	[tilespmem:$0x2B0] =	vst v2;
	v2 =	vmul.f32 v4, v1;
	v4 =	vadd.f32 v8, v0  }
0xc2: {  	[tilespmem:$0x2C0] =	vst v3;
	v3 =	vmul.f32 v5, v1  }
0xc3: {  	v5 =	vadd.f32 v9, v0;
	[tilespmem:$0x2D0] =	vst v2;
	v2 =	vmul.f32 v4, v1  }
0xc4: {  	[tilespmem:$0x2E0] =	vst v3  }
0xc5: {  	v3 =	vmul.f32 v5, v1;
	[tilespmem:$0x2F0] =	vst v2;
	_ =	sdelay $0x1  }
0xc6: {  	[tilespmem:$0x290] =	vst v3  }
0xc7: {  	[hbm4b:s25+s2] =	stream.linear.scatter [tilespmem:s14], [sflag:$0x7], $0x80, $0x38;
	[tilespmem:$0x500] =	vst v63  }
0xc8: {  	_ =	swait.ge [sflag:s26], $0x80  }
0xc9: {  	[sflag:s26] =	ssyncset.done $0x0  }
0xca: {  	[sflag:s26] =	ssyncadd.s32 $0xFFFFFF80  }
0xcb: {  	v2 =	vld [tilespmem:$0x340]  }
0xcc: {  	v8 =	vld [tilespmem:$0x370]  }
.Ltmp1:
0xcd: {  	v5 =	vld [tilespmem:$0x330];
	(pc) =	sbr.rel @p0 .LBB2_1-.Ltmp1, $4  }
0xce: {  	v6 =	vld [tilespmem:$0x320]  }
0xcf: {  	v3 =	vld [tilespmem:$0x350]  }
0xd0: {  	v7 =	vld [tilespmem:$0x310];
	v2 =	vadd.f32 v2, v0  }
0xd1: {  	v4 =	vld [tilespmem:$0x300];
	v8 =	vadd.f32 v8, v0  }
.LBB2_2:
0xd2: {  	_ = 	snop  }
0xd3: {  	v9 =	vld [tilespmem:$0x360];
	v5 =	vadd.f32 v5, v0;
	v8 =	vmul.f32 v8, v1  }
0xd4: {  	v6 =	vadd.f32 v6, v0;
	v2 =	vmul.f32 v2, v1  }
0xd5: {  	v5 =	vmul.f32 v5, v1;
	v3 =	vadd.f32 v3, v0;
	[tilespmem:$0x370] =	vst v8  }
0xd6: {  	v7 =	vadd.f32 v7, v0;
	v6 =	vmul.f32 v6, v1;
	[tilespmem:$0x340] =	vst v2  }
0xd7: {  	[tilespmem:$0x330] =	vst v5;
	v4 =	vadd.f32 v4, v0;
	v3 =	vmul.f32 v3, v1  }
0xd8: {  	v44 =	vmul.f32 v7, v1;
	v45 =	vadd.f32 v9, v0;
	[tilespmem:$0x320] =	vst v6  }
0xd9: {  	v4 =	vmul.f32 v4, v1;
	[tilespmem:$0x350] =	vst v3  }
0xda: {  	[tilespmem:$0x310] =	vst v44;
	v46 =	vmul.f32 v45, v1  }
0xdb: {  	[tilespmem:$0x300] =	vst v4  }
0xdc: {  	[tilespmem:$0x360] =	vst v46  }
0xdd: {  	[hbm4b:s23+s2] =	stream.linear.scatter [tilespmem:s7], [sflag:$0x7], $0x80, $0x38;
	[tilespmem:$0x500] =	vst v63  }
0xde: {  	_ =	swait.ge [sflag:s24], $0x80  }
0xdf: {  	[sflag:s24] =	ssyncset.done $0x0  }
0xe0: {  	[sflag:s24] =	ssyncadd.s32 $0xFFFFFF80  }
0xe1: {  	v47 =	vld [tilespmem:$0x380]  }
0xe2: {  	v48 =	vld [tilespmem:$0x390]  }
0xe3: {  	v49 =	vld [tilespmem:$0x3A0]  }
0xe4: {  	v50 =	vld [tilespmem:$0x3B0]  }
0xe5: {  	v51 =	vld [tilespmem:$0x3C0]  }
0xe6: {  	v52 =	vld [tilespmem:$0x3E0];
	v2 =	vadd.f32 v47, v0  }
0xe7: {  	v53 =	vld [tilespmem:$0x3F0];
	v3 =	vadd.f32 v48, v0  }
0xe8: {  	v54 =	vld [tilespmem:$0x3D0];
	v4 =	vadd.f32 v49, v0;
	v2 =	vmul.f32 v2, v1  }
0xe9: {  	v5 =	vadd.f32 v50, v0;
	v3 =	vmul.f32 v3, v1  }
0xea: {  	v56 =	vadd.f32 v51, v0;
	v55 =	vmul.f32 v4, v1;
	[tilespmem:$0x380] =	vst v2  }
0xeb: {  	v58 =	vadd.f32 v52, v0;
	v57 =	vmul.f32 v5, v1;
	[tilespmem:$0x390] =	vst v3  }
0xec: {  	v60 =	vadd.f32 v53, v0;
	v59 =	vmul.f32 v56, v1;
	[tilespmem:$0x3A0] =	vst v55  }
0xed: {  	v61 =	vadd.f32 v54, v0;
	v62 =	vmul.f32 v58, v1;
	[tilespmem:$0x3B0] =	vst v57  }
0xee: {  	v63 =	vmul.f32 v60, v1;
	[tilespmem:$0x3C0] =	vst v59  }
0xef: {  	v0 =	vmul.f32 v61, v1;
	[tilespmem:$0x3E0] =	vst v62  }
0xf0: {  	[tilespmem:$0x3F0] =	vst v63  }
0xf1: {  	[tilespmem:$0x3D0] =	vst v0  }
0xf2: {  	[hbm4b:s20+s2] =	stream.linear.scatter [tilespmem:s3], [sflag:$0x7], $0x80, $0x38;
	[tilespmem:$0x500] =	vst v63  }
0xf3: {  	_ =	swait.ge [sflag:s19], $0x80  }
0xf4: {  	[sflag:s19] =	ssyncset.done $0x0  }
0xf5: {  	[sflag:s19] =	ssyncadd.s32 $0xFFFFFF80  }
0xf6: {  	_ =	swait.ge [sflag:s19], $0x80  }
0xf7: {  	[sflag:s19] =	ssyncset.done $0x0  }
0xf8: {  	[sflag:s19] =	ssyncadd.s32 $0xFFFFFF80  }
0xf9: {  	_ =	swait.ge [sflag:s19], $0x80  }
0xfa: {  	[sflag:s19] =	ssyncset.done $0x0  }
0xfb: {  	[sflag:s19] =	ssyncadd.s32 $0xFFFFFF80  }
0xfc: {  	_ =	swait.ge [sflag:s19], $0x80  }
0xfd: {  	[sflag:s19] =	ssyncset.done $0x0  }
0xfe: {  	[sflag:s19] =	ssyncadd.s32 $0xFFFFFF80  }
0xff: {  	_ =	sfence.sel $0x180000  }
0x100: {  	[bflag:$0x0] =	sbarrier.arrive $0xFFFF  }
0x101: {  	p0 =	sne.s32 s1, $0x0;
	_ =	strace $0x90000047  }
0x102: {  	s0 =	sadd.s32 @!p0 $0x100000, s0;
	[bflag:$0x2] =	sbarrier.arrive $0xFFFF  }
0x103: {  	[sflag:s0] =	ssyncadd.tile.s32 @!p0 $0x1;
	_ =	shalt  }
.Lfunc_end2:
_tile_overlayer_lowered:
.L_overlay_start_2:
0x104: {  	(tag) =	ssettag $0x2  }
0x105: {  	s0 =	rddreg [dreg:$0x0];
	s2 =	stileid.u32  }
0x106: {  	s1 =	rddreg [dreg:$0x1];
	p0 =	sne.s32 s2, $0x0  }
0x107: {  	s3 =	rddreg [dreg:$0x2];
	[bflag:$0x3] =	sbarrier.arrive $0xFFFF;
	s2 =	simm.s32 @!p0 $0x1C08  }
0x108: {  	[timem:s3], [sflag:s2] =	dma.local @!p0 [hbm:s0], s1  }
0x109: {  	s0 =	simm.s32 @!p0 $0x8  }
0x10a: {  	_ =	swait.ge @!p0 [sflag:s0], s1  }
0x10b: {  	s1 =	ssub.s32 @!p0 $0x0, s1;
	[sflag:s0] =	ssyncset.done @!p0 $0x0  }
0x10c: {  	[sflag:s0] =	ssyncadd.s32 @!p0 s1  }
0x10d: {  	[bflag:$0x3] =	sbarrier.arrive $0xFFFF  }
0x10e: {  	_ =	shalt  }

</sc_bundles>
